<compile_context>
chip_gen: v7x
topology: tpu7x:2x2x1
jax: 0.10.2.dev20260603
libtpu: 0.0.44.dev20260713+nightly
codegen_flags: <defaults>
</compile_context>

<pallas_src>
import functools

import jax
import jax.numpy as jnp
from jax.experimental import pallas as pl
from jax.experimental.pallas import tpu as pltpu
from jax.experimental.pallas import tpu_sc as plsc

_K = 8192
_D = 256
_N = 16384
_MT = 256


def _dist_argmin_body(z_ref, et_ref, sz_ref, se_ref, idx_ref, dsum_ref):
    m = jax.lax.dot_general(
        z_ref[...].astype(jnp.bfloat16), et_ref[...].astype(jnp.bfloat16),
        (((1,), (0,)), ((), ())),
        preferred_element_type=jnp.float32)
    a = sz_ref[...] + se_ref[...]
    d = a - 2.0 * m
    lane = jax.lax.broadcasted_iota(jnp.int32, d.shape, 1)

    mt = d.shape[0]

    def window_minarg(chunks):
        run_v = run_c = None
        for c, lo, hi in chunks:
            dc = jax.lax.slice_in_dim(d, c * 128, (c + 1) * 128, axis=1)
            if lo > 0 or hi < 128:
                li = jax.lax.broadcasted_iota(jnp.int32, dc.shape, 1)
                dc = jnp.where((li >= lo) & (li < hi), dc,
                               jnp.float32(jnp.inf))
            if run_v is None:
                run_v = dc
                run_c = jnp.full(dc.shape, c, jnp.int32)
            else:
                cmp = dc < run_v
                run_c = jnp.where(cmp, jnp.int32(c), run_c)
                run_v = jnp.minimum(run_v, dc)
        li = jax.lax.broadcasted_iota(jnp.int32, run_v.shape, 1)
        gi = run_c * 128 + li
        mv = jnp.min(run_v, axis=1, keepdims=True)
        iw = jnp.min(jnp.where(run_v == mv, gi, jnp.int32(_K)), axis=1,
                     keepdims=True)
        return mv, iw

    full = lambda a, b: [(c, 0, 128) for c in range(a, b)]
    windows = [
        window_minarg(full(0, 21) + [(21, 0, 48)]),
        window_minarg([(21, 48, 128)] + full(22, 42) + [(42, 0, 96)]),
        window_minarg([(42, 96, 128)] + full(43, 64)),
    ]
    acc_v = jnp.full((mt, 1), jnp.inf, jnp.float32)
    acc_i = jnp.zeros((mt, 1), jnp.int32)
    chosen_v = jnp.zeros((mt, 1), jnp.float32)
    for mv, iw in windows:
        keep = (acc_v < mv) | ((acc_v == mv) & (acc_i < iw))
        acc_i = jnp.where(keep, acc_i, iw)
        chosen_v = jnp.where(keep, chosen_v, mv)
        acc_v = jnp.where(keep, acc_v,
                          mv.astype(jnp.bfloat16).astype(jnp.float32))
    idx_ref[...] = acc_i

    @pl.when(pl.program_id(0) == 0)
    def _init():
        dsum_ref[...] = jnp.zeros_like(dsum_ref)

    dsum_ref[...] += jnp.sum(chosen_v)[None, None]


def _dist_argmin(z_flat, et, sz, se):
    return pl.pallas_call(
        _dist_argmin_body,
        grid=(_N // _MT,),
        in_specs=[
            pl.BlockSpec((_MT, _D), lambda i: (i, 0)),
            pl.BlockSpec((_D, _K), lambda i: (0, 0)),
            pl.BlockSpec((_MT, 1), lambda i: (i, 0)),
            pl.BlockSpec((1, _K), lambda i: (0, 0)),
        ],
        out_specs=[
            pl.BlockSpec((_MT, 1), lambda i: (i, 0)),
            pl.BlockSpec((1, 1), lambda i: (0, 0)),
        ],
        out_shape=[
            jax.ShapeDtypeStruct((_N, 1), jnp.int32),
            jax.ShapeDtypeStruct((1, 1), jnp.float32),
        ],
    )(z_flat, et, sz, se)


def _sc_gather_count(idx_flat, embedding):
    mesh = plsc.VectorSubcoreMesh(core_axis_name="c", subcore_axis_name="s")
    n_workers = 32
    bpw = _N // n_workers
    chunk = 128

    @functools.partial(
        pl.kernel,
        mesh=mesh,
        out_type=(
            jax.ShapeDtypeStruct((_N, _D), jnp.float32),
            jax.ShapeDtypeStruct((2, _K), jnp.float32),
        ),
        scratch_types=[
            pltpu.VMEM((bpw,), jnp.int32),
            pltpu.VMEM((chunk, _D), jnp.float32),
            pltpu.VMEM((bpw,), jnp.float32),
            pltpu.VMEM((_K,), jnp.float32),
            pltpu.VMEM_SHARED((_K,), jnp.float32),
            pltpu.SemaphoreType.DMA,
        ],
    )
    def kb(idx_hbm, table_hbm, zq_hbm, cnt_hbm,
           idxv, rows, onesv, stage, csh, sem):
        cid = jax.lax.axis_index("c")
        sid = jax.lax.axis_index("s")
        wid = sid * 2 + cid
        base = wid * bpw
        pltpu.sync_copy(idx_hbm.at[pl.ds(base, bpw)], idxv)
        for c in range(bpw // chunk):
            pltpu.async_copy(
                table_hbm.at[idxv.at[pl.ds(c * chunk, chunk)]], rows, sem
            ).wait()
            pltpu.sync_copy(rows, zq_hbm.at[pl.ds(base + c * chunk, chunk)])

        @pl.loop(0, bpw, step=16)
        def _(i):
            onesv[pl.ds(i, 16)] = jnp.ones((16,), jnp.float32)

        @pl.when(sid == 0)
        def _():
            @pl.loop(0, _K, step=16)
            def _(i):
                stage[pl.ds(i, 16)] = jnp.zeros((16,), jnp.float32)
            pltpu.sync_copy(stage, csh)

        plsc.subcore_barrier()
        pltpu.sync_copy(onesv, csh.at[idxv], add=True)
        plsc.subcore_barrier()

        @pl.when(sid == 0)
        def _():
            pltpu.sync_copy(csh, stage)
            pltpu.sync_copy(stage, cnt_hbm.at[cid])

    return kb(idx_flat, embedding)


def _assemble_body(in_ref, zq_ref, cnt_ref, out_ref, ent_ref):
    zin = in_ref[0]
    zq_t = jnp.transpose(zq_ref[0], (1, 0))
    out_ref[0] = zin + (zq_t - zin)

    @pl.when(pl.program_id(0) == 0)
    def _entropy():
        c = cnt_ref[0:1, :] + cnt_ref[1:2, :]
        em = c * (1.0 / float(_N))
        ent_ref[...] = jnp.sum(em * jnp.log(em + 1e-10))[None, None]


def _assemble(inputs_r, zq3, counts):
    b = inputs_r.shape[0]
    hw = inputs_r.shape[2]
    return pl.pallas_call(
        _assemble_body,
        grid=(b,),
        in_specs=[
            pl.BlockSpec((1, _D, hw), lambda i: (i, 0, 0)),
            pl.BlockSpec((1, hw, _D), lambda i: (i, 0, 0)),
            pl.BlockSpec((2, _K), lambda i: (0, 0)),
        ],
        out_specs=[
            pl.BlockSpec((1, _D, hw), lambda i: (i, 0, 0)),
            pl.BlockSpec((1, 1), lambda i: (0, 0)),
        ],
        out_shape=[
            jax.ShapeDtypeStruct((b, _D, hw), jnp.float32),
            jax.ShapeDtypeStruct((1, 1), jnp.float32),
        ],
    )(inputs_r, zq3, counts)


def kernel(inputs, embedding):
    b, c, h, w = inputs.shape
    z = jnp.transpose(inputs, (0, 2, 3, 1))
    z_flat = z.reshape(-1, c)
    sz = jnp.sum(z_flat ** 2, axis=1)
    se = jnp.sum(embedding ** 2, axis=1)
    et = embedding.T

    idxc, dsum = _dist_argmin(z_flat, et, sz.reshape(-1, 1), se.reshape(1, -1))
    idx = idxc.reshape(-1)

    zq_flat, counts = _sc_gather_count(idx, embedding)

    inputs_r = inputs.reshape(b, c, h * w)
    zq3 = zq_flat.reshape(b, h * w, c)
    outr, ent = _assemble(inputs_r, zq3, counts)

    z_q_out = outr.reshape(b, c, h, w)
    embedding_loss = (1.25 / float(_N * _D)) * dsum[0, 0]
    perplexity = jnp.exp(-ent[0, 0])
    return (embedding_loss, z_q_out, perplexity)

# --- scband reference (transcript-rebuilt; emitter-appended) ---
"""Pipeline reference for scband-vqvae-30056181137409 (READ-ONLY COPY).

The authoritative reference and input builder live on the scoring server;
editing this copy changes nothing except your own understanding.
"""

import jax, jax.numpy as jnp
import numpy as np

N_EMBEDDINGS = 8192
EMBEDDING_DIM = 256
BETA = 0.25
ALPHA = 1.0


def setup_inputs(seed: int = 0) -> dict:
    key = jax.random.key(seed)
    k1, k2 = jax.random.split(key)
    inputs = jax.random.normal(k1, (16, EMBEDDING_DIM, 32, 32), dtype=jnp.float32)
    embedding = jax.random.uniform(
        k2, (N_EMBEDDINGS, EMBEDDING_DIM), dtype=jnp.float32,
        minval=-1.0 / N_EMBEDDINGS, maxval=1.0 / N_EMBEDDINGS)
    return {"inputs": inputs, "embedding": embedding}


def reference(inputs, embedding):
    # z_e: (B, C, H, W) -> (B, H, W, C)
    z = jnp.transpose(inputs, (0, 2, 3, 1))
    z_flat = z.reshape(-1, z.shape[-1])
    # pairwise squared distances to codebook: (N, K)
    d = (jnp.sum(z_flat ** 2, axis=1, keepdims=True)
         + jnp.sum(embedding ** 2, axis=1)[None, :]
         - 2.0 * (z_flat @ embedding.T))
    idx = jnp.argmin(d, axis=1)
    z_q_flat = jnp.take(embedding, idx, axis=0)
    z_q = z_q_flat.reshape(z.shape)
    # codebook + commitment losses
    codebook_loss = jnp.mean((z_q - jax.lax.stop_gradient(z)) ** 2)
    commit_loss = jnp.mean((jax.lax.stop_gradient(z_q) - z) ** 2)
    embedding_loss = ALPHA * (codebook_loss + BETA * commit_loss)
    # straight-through estimator
    z_q_st = z + jax.lax.stop_gradient(z_q - z)
    # perplexity over code usage
    counts = jnp.bincount(idx, length=N_EMBEDDINGS).astype(jnp.float32)
    e_mean = counts / z_flat.shape[0]
    perplexity = jnp.exp(-jnp.sum(e_mean * jnp.log(e_mean + 1e-10)))
    z_q_out = jnp.transpose(z_q_st, (0, 3, 1, 2))
    return (embedding_loss, z_q_out, perplexity)

if __name__ == "__main__":
    import jax
    _d = setup_inputs()
    print(jax.jit(kernel)(*tuple(_d.values())))

</pallas_src>

<mosaic_0001>
#map = affine_map<(d0, d1) -> (0)>
#map1 = affine_map<(d0, d1) -> (0, 0)>
module attributes {stable_mosaic.version = 14 : i64} {
  func.func @kb(%arg0: i32, %arg1: i32, %arg2: memref<16384xi32, #tpu.memory_space<hbm>>, %arg3: memref<8192x256xf32, #tpu.memory_space<hbm>>, %arg4: memref<16384x256xf32, #tpu.memory_space<hbm>>, %arg5: memref<2x8192xf32, #tpu.memory_space<hbm>>, %arg6: memref<512xi32, #tpu.memory_space<vmem>>, %arg7: memref<128x256xf32, #tpu.memory_space<vmem>>, %arg8: memref<512xf32, #tpu.memory_space<vmem>>, %arg9: memref<8192xf32, #tpu.memory_space<vmem>>, %arg10: memref<8192xf32, #tpu.memory_space<vmem_shared>>, %arg11: memref<!tpu.dma_semaphore, #tpu.memory_space<semaphore_mem>>) attributes {dimension_semantics = [#tpu.dimension_semantics<core_parallel>, #tpu.dimension_semantics<subcore_parallel>], iteration_bounds = array<i64: 2, 16>, scalar_prefetch = 0 : i64, scratch_operands = 6 : i64, tpu.core_type = #tpu.core_type<sc_vector_subcore>, window_params = [{transform_indices = #map}, {transform_indices = #map1}, {transform_indices = #map1}, {transform_indices = #map1}]} {
    %mul3A = arith.constant 2 : i32
    %mul3A_0 = arith.muli %arg1, %mul3A : i32
    %add3A = arith.addi %mul3A_0, %arg0 : i32
    %mul3A_1 = arith.constant 512 : i32
    %mul3A_2 = arith.muli %add3A, %mul3A_1 : i32
    "tpu.region"() ({
      %run_scoped3A = tpu.sem_alloc : memref<!tpu.dma_semaphore, #tpu.memory_space<semaphore_mem>>
      %dma_start3A_61 = tpu.memref_slice %arg2[%mul3A_2] : memref<16384xi32, #tpu.memory_space<hbm>> -> memref<512xi32, #tpu.memory_space<hbm>>
      %dma_start3A_62 = tpu.memref_slice %arg2[%mul3A_2] : memref<16384xi32, #tpu.memory_space<hbm>> -> memref<512xi32, #tpu.memory_space<hbm>>
      tpu.enqueue_dma source(%dma_start3A_62 : memref<512xi32, #tpu.memory_space<hbm>>) target(%arg6 : memref<512xi32, #tpu.memory_space<vmem>>) target_semaphore(%run_scoped3A : memref<!tpu.dma_semaphore, #tpu.memory_space<semaphore_mem>>)
      %dma_wait3A_63 = tpu.memref_slice %arg2[%mul3A_2] : memref<16384xi32, #tpu.memory_space<hbm>> -> memref<512xi32, #tpu.memory_space<hbm>>
      %dma_wait3A_64 = tpu.memref_slice %arg2[%mul3A_2] : memref<16384xi32, #tpu.memory_space<hbm>> -> memref<512xi32, #tpu.memory_space<hbm>>
      tpu.wait_dma2 semaphore(%run_scoped3A : memref<!tpu.dma_semaphore, #tpu.memory_space<semaphore_mem>>) src(%dma_wait3A_64 : memref<512xi32, #tpu.memory_space<hbm>>) dst(%arg6 : memref<512xi32, #tpu.memory_space<vmem>>)
      tpu.yield
    }) : () -> ()
    %dma_start3A = arith.constant 0 : i32
    %dma_start3A_3 = tpu.memref_slice %arg6[%dma_start3A] : memref<512xi32, #tpu.memory_space<vmem>> -> memref<128xi32, #tpu.memory_space<vmem>>
    %dma_start3A_4 = arith.constant 0 : i32
    %dma_start3A_5 = arith.constant 0 : i32
    %dma_start3A_6 = tpu.memref_slice %arg3[%dma_start3A_4, %dma_start3A_5] : memref<8192x256xf32, #tpu.memory_space<hbm>> -> memref<8192x256xf32, #tpu.memory_space<hbm>>
    tpu.enqueue_indirect_dma source(%dma_start3A_6 : memref<8192x256xf32, #tpu.memory_space<hbm>>) target(%arg7 : memref<128x256xf32, #tpu.memory_space<vmem>>) offsets(%dma_start3A_3 : memref<128xi32, #tpu.memory_space<vmem>>) semaphore(%arg11 : memref<!tpu.dma_semaphore, #tpu.memory_space<semaphore_mem>>)
    %dma_wait3A = arith.constant 0 : i32
    %dma_wait3A_7 = tpu.memref_slice %arg6[%dma_wait3A] : memref<512xi32, #tpu.memory_space<vmem>> -> memref<128xi32, #tpu.memory_space<vmem>>
    %dma_wait3A_8 = arith.constant 0 : i32
    %dma_wait3A_9 = arith.constant 0 : i32
    %dma_wait3A_10 = tpu.memref_slice %arg3[%dma_wait3A_8, %dma_wait3A_9] : memref<8192x256xf32, #tpu.memory_space<hbm>> -> memref<8192x256xf32, #tpu.memory_space<hbm>>
    tpu.wait_indirect_dma semaphore(%arg11 : memref<!tpu.dma_semaphore, #tpu.memory_space<semaphore_mem>>) src(%dma_wait3A_10 : memref<8192x256xf32, #tpu.memory_space<hbm>>) dst(%arg7 : memref<128x256xf32, #tpu.memory_space<vmem>>)
    %add3A_11 = arith.constant 0 : i32
    %add3A_12 = arith.addi %mul3A_2, %add3A_11 : i32
    "tpu.region"() ({
      %run_scoped3A = tpu.sem_alloc : memref<!tpu.dma_semaphore, #tpu.memory_space<semaphore_mem>>
      %dma_start3A_61 = arith.constant 0 : i32
      %dma_start3A_62 = tpu.memref_slice %arg4[%add3A_12, %dma_start3A_61] : memref<16384x256xf32, #tpu.memory_space<hbm>> -> memref<128x256xf32, #tpu.memory_space<hbm>>
      %dma_start3A_63 = arith.constant 0 : i32
      %dma_start3A_64 = tpu.memref_slice %arg4[%add3A_12, %dma_start3A_63] : memref<16384x256xf32, #tpu.memory_space<hbm>> -> memref<128x256xf32, #tpu.memory_space<hbm>>
      tpu.enqueue_dma source(%arg7 : memref<128x256xf32, #tpu.memory_space<vmem>>) target(%dma_start3A_64 : memref<128x256xf32, #tpu.memory_space<hbm>>) target_semaphore(%run_scoped3A : memref<!tpu.dma_semaphore, #tpu.memory_space<semaphore_mem>>)
      %dma_wait3A_65 = arith.constant 0 : i32
      %dma_wait3A_66 = tpu.memref_slice %arg4[%add3A_12, %dma_wait3A_65] : memref<16384x256xf32, #tpu.memory_space<hbm>> -> memref<128x256xf32, #tpu.memory_space<hbm>>
      %dma_wait3A_67 = arith.constant 0 : i32
      %dma_wait3A_68 = tpu.memref_slice %arg4[%add3A_12, %dma_wait3A_67] : memref<16384x256xf32, #tpu.memory_space<hbm>> -> memref<128x256xf32, #tpu.memory_space<hbm>>
      tpu.wait_dma2 semaphore(%run_scoped3A : memref<!tpu.dma_semaphore, #tpu.memory_space<semaphore_mem>>) src(%arg7 : memref<128x256xf32, #tpu.memory_space<vmem>>) dst(%dma_wait3A_68 : memref<128x256xf32, #tpu.memory_space<hbm>>)
      tpu.yield
    }) : () -> ()
    %dma_start3A_13 = arith.constant 128 : i32
    %dma_start3A_14 = tpu.memref_slice %arg6[%dma_start3A_13] : memref<512xi32, #tpu.memory_space<vmem>> -> memref<128xi32, #tpu.memory_space<vmem>>
    %dma_start3A_15 = arith.constant 0 : i32
    %dma_start3A_16 = arith.constant 0 : i32
    %dma_start3A_17 = tpu.memref_slice %arg3[%dma_start3A_15, %dma_start3A_16] : memref<8192x256xf32, #tpu.memory_space<hbm>> -> memref<8192x256xf32, #tpu.memory_space<hbm>>
    tpu.enqueue_indirect_dma source(%dma_start3A_17 : memref<8192x256xf32, #tpu.memory_space<hbm>>) target(%arg7 : memref<128x256xf32, #tpu.memory_space<vmem>>) offsets(%dma_start3A_14 : memref<128xi32, #tpu.memory_space<vmem>>) semaphore(%arg11 : memref<!tpu.dma_semaphore, #tpu.memory_space<semaphore_mem>>)
    %dma_wait3A_18 = arith.constant 128 : i32
    %dma_wait3A_19 = tpu.memref_slice %arg6[%dma_wait3A_18] : memref<512xi32, #tpu.memory_space<vmem>> -> memref<128xi32, #tpu.memory_space<vmem>>
    %dma_wait3A_20 = arith.constant 0 : i32
    %dma_wait3A_21 = arith.constant 0 : i32
    %dma_wait3A_22 = tpu.memref_slice %arg3[%dma_wait3A_20, %dma_wait3A_21] : memref<8192x256xf32, #tpu.memory_space<hbm>> -> memref<8192x256xf32, #tpu.memory_space<hbm>>
    tpu.wait_indirect_dma semaphore(%arg11 : memref<!tpu.dma_semaphore, #tpu.memory_space<semaphore_mem>>) src(%dma_wait3A_22 : memref<8192x256xf32, #tpu.memory_space<hbm>>) dst(%arg7 : memref<128x256xf32, #tpu.memory_space<vmem>>)
    %add3A_23 = arith.constant 128 : i32
    %add3A_24 = arith.addi %mul3A_2, %add3A_23 : i32
    "tpu.region"() ({
      %run_scoped3A = tpu.sem_alloc : memref<!tpu.dma_semaphore, #tpu.memory_space<semaphore_mem>>
      %dma_start3A_61 = arith.constant 0 : i32
      %dma_start3A_62 = tpu.memref_slice %arg4[%add3A_24, %dma_start3A_61] : memref<16384x256xf32, #tpu.memory_space<hbm>> -> memref<128x256xf32, #tpu.memory_space<hbm>>
      %dma_start3A_63 = arith.constant 0 : i32
      %dma_start3A_64 = tpu.memref_slice %arg4[%add3A_24, %dma_start3A_63] : memref<16384x256xf32, #tpu.memory_space<hbm>> -> memref<128x256xf32, #tpu.memory_space<hbm>>
      tpu.enqueue_dma source(%arg7 : memref<128x256xf32, #tpu.memory_space<vmem>>) target(%dma_start3A_64 : memref<128x256xf32, #tpu.memory_space<hbm>>) target_semaphore(%run_scoped3A : memref<!tpu.dma_semaphore, #tpu.memory_space<semaphore_mem>>)
      %dma_wait3A_65 = arith.constant 0 : i32
      %dma_wait3A_66 = tpu.memref_slice %arg4[%add3A_24, %dma_wait3A_65] : memref<16384x256xf32, #tpu.memory_space<hbm>> -> memref<128x256xf32, #tpu.memory_space<hbm>>
      %dma_wait3A_67 = arith.constant 0 : i32
      %dma_wait3A_68 = tpu.memref_slice %arg4[%add3A_24, %dma_wait3A_67] : memref<16384x256xf32, #tpu.memory_space<hbm>> -> memref<128x256xf32, #tpu.memory_space<hbm>>
      tpu.wait_dma2 semaphore(%run_scoped3A : memref<!tpu.dma_semaphore, #tpu.memory_space<semaphore_mem>>) src(%arg7 : memref<128x256xf32, #tpu.memory_space<vmem>>) dst(%dma_wait3A_68 : memref<128x256xf32, #tpu.memory_space<hbm>>)
      tpu.yield
    }) : () -> ()
    %dma_start3A_25 = arith.constant 256 : i32
    %dma_start3A_26 = tpu.memref_slice %arg6[%dma_start3A_25] : memref<512xi32, #tpu.memory_space<vmem>> -> memref<128xi32, #tpu.memory_space<vmem>>
    %dma_start3A_27 = arith.constant 0 : i32
    %dma_start3A_28 = arith.constant 0 : i32
    %dma_start3A_29 = tpu.memref_slice %arg3[%dma_start3A_27, %dma_start3A_28] : memref<8192x256xf32, #tpu.memory_space<hbm>> -> memref<8192x256xf32, #tpu.memory_space<hbm>>
    tpu.enqueue_indirect_dma source(%dma_start3A_29 : memref<8192x256xf32, #tpu.memory_space<hbm>>) target(%arg7 : memref<128x256xf32, #tpu.memory_space<vmem>>) offsets(%dma_start3A_26 : memref<128xi32, #tpu.memory_space<vmem>>) semaphore(%arg11 : memref<!tpu.dma_semaphore, #tpu.memory_space<semaphore_mem>>)
    %dma_wait3A_30 = arith.constant 256 : i32
    %dma_wait3A_31 = tpu.memref_slice %arg6[%dma_wait3A_30] : memref<512xi32, #tpu.memory_space<vmem>> -> memref<128xi32, #tpu.memory_space<vmem>>
    %dma_wait3A_32 = arith.constant 0 : i32
    %dma_wait3A_33 = arith.constant 0 : i32
    %dma_wait3A_34 = tpu.memref_slice %arg3[%dma_wait3A_32, %dma_wait3A_33] : memref<8192x256xf32, #tpu.memory_space<hbm>> -> memref<8192x256xf32, #tpu.memory_space<hbm>>
    tpu.wait_indirect_dma semaphore(%arg11 : memref<!tpu.dma_semaphore, #tpu.memory_space<semaphore_mem>>) src(%dma_wait3A_34 : memref<8192x256xf32, #tpu.memory_space<hbm>>) dst(%arg7 : memref<128x256xf32, #tpu.memory_space<vmem>>)
    %add3A_35 = arith.constant 256 : i32
    %add3A_36 = arith.addi %mul3A_2, %add3A_35 : i32
    "tpu.region"() ({
      %run_scoped3A = tpu.sem_alloc : memref<!tpu.dma_semaphore, #tpu.memory_space<semaphore_mem>>
      %dma_start3A_61 = arith.constant 0 : i32
      %dma_start3A_62 = tpu.memref_slice %arg4[%add3A_36, %dma_start3A_61] : memref<16384x256xf32, #tpu.memory_space<hbm>> -> memref<128x256xf32, #tpu.memory_space<hbm>>
      %dma_start3A_63 = arith.constant 0 : i32
      %dma_start3A_64 = tpu.memref_slice %arg4[%add3A_36, %dma_start3A_63] : memref<16384x256xf32, #tpu.memory_space<hbm>> -> memref<128x256xf32, #tpu.memory_space<hbm>>
      tpu.enqueue_dma source(%arg7 : memref<128x256xf32, #tpu.memory_space<vmem>>) target(%dma_start3A_64 : memref<128x256xf32, #tpu.memory_space<hbm>>) target_semaphore(%run_scoped3A : memref<!tpu.dma_semaphore, #tpu.memory_space<semaphore_mem>>)
      %dma_wait3A_65 = arith.constant 0 : i32
      %dma_wait3A_66 = tpu.memref_slice %arg4[%add3A_36, %dma_wait3A_65] : memref<16384x256xf32, #tpu.memory_space<hbm>> -> memref<128x256xf32, #tpu.memory_space<hbm>>
      %dma_wait3A_67 = arith.constant 0 : i32
      %dma_wait3A_68 = tpu.memref_slice %arg4[%add3A_36, %dma_wait3A_67] : memref<16384x256xf32, #tpu.memory_space<hbm>> -> memref<128x256xf32, #tpu.memory_space<hbm>>
      tpu.wait_dma2 semaphore(%run_scoped3A : memref<!tpu.dma_semaphore, #tpu.memory_space<semaphore_mem>>) src(%arg7 : memref<128x256xf32, #tpu.memory_space<vmem>>) dst(%dma_wait3A_68 : memref<128x256xf32, #tpu.memory_space<hbm>>)
      tpu.yield
    }) : () -> ()
    %dma_start3A_37 = arith.constant 384 : i32
    %dma_start3A_38 = tpu.memref_slice %arg6[%dma_start3A_37] : memref<512xi32, #tpu.memory_space<vmem>> -> memref<128xi32, #tpu.memory_space<vmem>>
    %dma_start3A_39 = arith.constant 0 : i32
    %dma_start3A_40 = arith.constant 0 : i32
    %dma_start3A_41 = tpu.memref_slice %arg3[%dma_start3A_39, %dma_start3A_40] : memref<8192x256xf32, #tpu.memory_space<hbm>> -> memref<8192x256xf32, #tpu.memory_space<hbm>>
    tpu.enqueue_indirect_dma source(%dma_start3A_41 : memref<8192x256xf32, #tpu.memory_space<hbm>>) target(%arg7 : memref<128x256xf32, #tpu.memory_space<vmem>>) offsets(%dma_start3A_38 : memref<128xi32, #tpu.memory_space<vmem>>) semaphore(%arg11 : memref<!tpu.dma_semaphore, #tpu.memory_space<semaphore_mem>>)
    %dma_wait3A_42 = arith.constant 384 : i32
    %dma_wait3A_43 = tpu.memref_slice %arg6[%dma_wait3A_42] : memref<512xi32, #tpu.memory_space<vmem>> -> memref<128xi32, #tpu.memory_space<vmem>>
    %dma_wait3A_44 = arith.constant 0 : i32
    %dma_wait3A_45 = arith.constant 0 : i32
    %dma_wait3A_46 = tpu.memref_slice %arg3[%dma_wait3A_44, %dma_wait3A_45] : memref<8192x256xf32, #tpu.memory_space<hbm>> -> memref<8192x256xf32, #tpu.memory_space<hbm>>
    tpu.wait_indirect_dma semaphore(%arg11 : memref<!tpu.dma_semaphore, #tpu.memory_space<semaphore_mem>>) src(%dma_wait3A_46 : memref<8192x256xf32, #tpu.memory_space<hbm>>) dst(%arg7 : memref<128x256xf32, #tpu.memory_space<vmem>>)
    %add3A_47 = arith.constant 384 : i32
    %add3A_48 = arith.addi %mul3A_2, %add3A_47 : i32
    "tpu.region"() ({
      %run_scoped3A = tpu.sem_alloc : memref<!tpu.dma_semaphore, #tpu.memory_space<semaphore_mem>>
      %dma_start3A_61 = arith.constant 0 : i32
      %dma_start3A_62 = tpu.memref_slice %arg4[%add3A_48, %dma_start3A_61] : memref<16384x256xf32, #tpu.memory_space<hbm>> -> memref<128x256xf32, #tpu.memory_space<hbm>>
      %dma_start3A_63 = arith.constant 0 : i32
      %dma_start3A_64 = tpu.memref_slice %arg4[%add3A_48, %dma_start3A_63] : memref<16384x256xf32, #tpu.memory_space<hbm>> -> memref<128x256xf32, #tpu.memory_space<hbm>>
      tpu.enqueue_dma source(%arg7 : memref<128x256xf32, #tpu.memory_space<vmem>>) target(%dma_start3A_64 : memref<128x256xf32, #tpu.memory_space<hbm>>) target_semaphore(%run_scoped3A : memref<!tpu.dma_semaphore, #tpu.memory_space<semaphore_mem>>)
      %dma_wait3A_65 = arith.constant 0 : i32
      %dma_wait3A_66 = tpu.memref_slice %arg4[%add3A_48, %dma_wait3A_65] : memref<16384x256xf32, #tpu.memory_space<hbm>> -> memref<128x256xf32, #tpu.memory_space<hbm>>
      %dma_wait3A_67 = arith.constant 0 : i32
      %dma_wait3A_68 = tpu.memref_slice %arg4[%add3A_48, %dma_wait3A_67] : memref<16384x256xf32, #tpu.memory_space<hbm>> -> memref<128x256xf32, #tpu.memory_space<hbm>>
      tpu.wait_dma2 semaphore(%run_scoped3A : memref<!tpu.dma_semaphore, #tpu.memory_space<semaphore_mem>>) src(%arg7 : memref<128x256xf32, #tpu.memory_space<vmem>>) dst(%dma_wait3A_68 : memref<128x256xf32, #tpu.memory_space<hbm>>)
      tpu.yield
    }) : () -> ()
    %scan3A = arith.constant 0 : i32
    %scan3A_49 = arith.constant 32 : i32
    %scan3A_50 = arith.addi %scan3A, %scan3A_49 : i32
    %scan3A_51 = arith.constant 1 : i32
    scf.for %scan3A_61 = %scan3A to %scan3A_50 step %scan3A_51  : i32 {
      %mul3A_62 = arith.constant 16 : i32
      %mul3A_63 = arith.muli %scan3A_61, %mul3A_62 : i32
      %add3A_64 = arith.constant 0 : i32
      %add3A_65 = arith.addi %add3A_64, %mul3A_63 : i32
      %broadcast_in_dim3A = arith.constant 1.000000e+00 : f32
      %broadcast_in_dim3A_66 = vector.broadcast %broadcast_in_dim3A : f32 to vector<16xf32>
      %swap3A = arith.index_cast %add3A_65 : i32 to index
      %swap3A_67 = tpu.vector_load %arg8[%swap3A] {strides = array<i32>} : memref<512xf32, #tpu.memory_space<vmem>>, vector<16xf32>,
      %swap3A_68 = vector.shape_cast %swap3A_67 : vector<16xf32> to vector<16xf32>
      %swap3A_69 = vector.shape_cast %broadcast_in_dim3A_66 : vector<16xf32> to vector<16xf32>
      tpu.vector_store %arg8[%swap3A], %swap3A_69 {strides = array<i32>} : memref<512xf32, #tpu.memory_space<vmem>>, vector<16xf32>,
    }
    %scan3A_52 = arith.constant 32 : i32
    %eq3A = arith.constant 0 : i32
    %eq3A_53 = arith.cmpi eq, %arg1, %eq3A : i32
    %convert_element_type3A = arith.extui %eq3A_53 : i1 to i32
    %cond3A = arith.constant 0 : i32
    %cond3A_54 = arith.cmpi ne, %convert_element_type3A, %cond3A : i32
    scf.if %cond3A_54 {
      %scan3A_61 = arith.constant 0 : i32
      %scan3A_62 = arith.constant 512 : i32
      %scan3A_63 = arith.addi %scan3A_61, %scan3A_62 : i32
      %scan3A_64 = arith.constant 1 : i32
      scf.for %scan3A_66 = %scan3A_61 to %scan3A_63 step %scan3A_64  : i32 {
        %mul3A_67 = arith.constant 16 : i32
        %mul3A_68 = arith.muli %scan3A_66, %mul3A_67 : i32
        %add3A_69 = arith.constant 0 : i32
        %add3A_70 = arith.addi %add3A_69, %mul3A_68 : i32
        %broadcast_in_dim3A = arith.constant 0.000000e+00 : f32
        %broadcast_in_dim3A_71 = vector.broadcast %broadcast_in_dim3A : f32 to vector<16xf32>
        %swap3A = arith.index_cast %add3A_70 : i32 to index
        %swap3A_72 = tpu.vector_load %arg9[%swap3A] {strides = array<i32>} : memref<8192xf32, #tpu.memory_space<vmem>>, vector<16xf32>,
        %swap3A_73 = vector.shape_cast %swap3A_72 : vector<16xf32> to vector<16xf32>
        %swap3A_74 = vector.shape_cast %broadcast_in_dim3A_71 : vector<16xf32> to vector<16xf32>
        tpu.vector_store %arg9[%swap3A], %swap3A_74 {strides = array<i32>} : memref<8192xf32, #tpu.memory_space<vmem>>, vector<16xf32>,
      }
      %scan3A_65 = arith.constant 512 : i32
      "tpu.region"() ({
        %run_scoped3A = tpu.sem_alloc : memref<!tpu.dma_semaphore, #tpu.memory_space<semaphore_mem>>
        tpu.enqueue_dma source(%arg9 : memref<8192xf32, #tpu.memory_space<vmem>>) target(%arg10 : memref<8192xf32, #tpu.memory_space<vmem_shared>>) target_semaphore(%run_scoped3A : memref<!tpu.dma_semaphore, #tpu.memory_space<semaphore_mem>>)
        tpu.wait_dma2 semaphore(%run_scoped3A : memref<!tpu.dma_semaphore, #tpu.memory_space<semaphore_mem>>) src(%arg9 : memref<8192xf32, #tpu.memory_space<vmem>>) dst(%arg10 : memref<8192xf32, #tpu.memory_space<vmem_shared>>)
        tpu.yield
      }) : () -> ()
    } else {
    }
    %barrier3A = arith.constant 0 : index
    tpu.barrier barrier_id(%barrier3A)
    "tpu.region"() ({
      %run_scoped3A = tpu.sem_alloc : memref<!tpu.dma_semaphore, #tpu.memory_space<semaphore_mem>>
      %dma_start3A_61 = arith.constant 0 : i32
      %dma_start3A_62 = tpu.memref_slice %arg10[%dma_start3A_61] : memref<8192xf32, #tpu.memory_space<vmem_shared>> -> memref<8192xf32, #tpu.memory_space<vmem_shared>>
      tpu.enqueue_indirect_dma source(%arg8 : memref<512xf32, #tpu.memory_space<vmem>>) target(%dma_start3A_62 : memref<8192xf32, #tpu.memory_space<vmem_shared>>) offsets(%arg6 : memref<512xi32, #tpu.memory_space<vmem>>) semaphore(%run_scoped3A : memref<!tpu.dma_semaphore, #tpu.memory_space<semaphore_mem>>) {add = true}
      %dma_wait3A_63 = arith.constant 0 : i32
      %dma_wait3A_64 = tpu.memref_slice %arg10[%dma_wait3A_63] : memref<8192xf32, #tpu.memory_space<vmem_shared>> -> memref<8192xf32, #tpu.memory_space<vmem_shared>>
      tpu.wait_indirect_dma semaphore(%run_scoped3A : memref<!tpu.dma_semaphore, #tpu.memory_space<semaphore_mem>>) src(%arg8 : memref<512xf32, #tpu.memory_space<vmem>>) dst(%dma_wait3A_64 : memref<8192xf32, #tpu.memory_space<vmem_shared>>)
      tpu.yield
    }) : () -> ()
    %barrier3A_55 = arith.constant 0 : index
    tpu.barrier barrier_id(%barrier3A_55)
    %eq3A_56 = arith.constant 0 : i32
    %eq3A_57 = arith.cmpi eq, %arg1, %eq3A_56 : i32
    %convert_element_type3A_58 = arith.extui %eq3A_57 : i1 to i32
    %cond3A_59 = arith.constant 0 : i32
    %cond3A_60 = arith.cmpi ne, %convert_element_type3A_58, %cond3A_59 : i32
    scf.if %cond3A_60 {
      "tpu.region"() ({
        %run_scoped3A = tpu.sem_alloc : memref<!tpu.dma_semaphore, #tpu.memory_space<semaphore_mem>>
        tpu.enqueue_dma source(%arg10 : memref<8192xf32, #tpu.memory_space<vmem_shared>>) target(%arg9 : memref<8192xf32, #tpu.memory_space<vmem>>) target_semaphore(%run_scoped3A : memref<!tpu.dma_semaphore, #tpu.memory_space<semaphore_mem>>)
        tpu.wait_dma2 semaphore(%run_scoped3A : memref<!tpu.dma_semaphore, #tpu.memory_space<semaphore_mem>>) src(%arg10 : memref<8192xf32, #tpu.memory_space<vmem_shared>>) dst(%arg9 : memref<8192xf32, #tpu.memory_space<vmem>>)
        tpu.yield
      }) : () -> ()
      "tpu.region"() ({
        %run_scoped3A = tpu.sem_alloc : memref<!tpu.dma_semaphore, #tpu.memory_space<semaphore_mem>>
        %dma_start3A_61 = arith.constant 0 : i32
        %dma_start3A_62 = tpu.memref_slice %arg5[%arg0, %dma_start3A_61] : memref<2x8192xf32, #tpu.memory_space<hbm>> -> memref<1x8192xf32, #tpu.memory_space<hbm>>
        %dma_start3A_63 = tpu.memref_squeeze %dma_start3A_62 : memref<1x8192xf32, #tpu.memory_space<hbm>> -> memref<8192xf32, #tpu.memory_space<hbm>>
        %dma_start3A_64 = arith.constant 0 : i32
        %dma_start3A_65 = tpu.memref_slice %arg5[%arg0, %dma_start3A_64] : memref<2x8192xf32, #tpu.memory_space<hbm>> -> memref<1x8192xf32, #tpu.memory_space<hbm>>
        %dma_start3A_66 = tpu.memref_squeeze %dma_start3A_65 : memref<1x8192xf32, #tpu.memory_space<hbm>> -> memref<8192xf32, #tpu.memory_space<hbm>>
        tpu.enqueue_dma source(%arg9 : memref<8192xf32, #tpu.memory_space<vmem>>) target(%dma_start3A_66 : memref<8192xf32, #tpu.memory_space<hbm>>) target_semaphore(%run_scoped3A : memref<!tpu.dma_semaphore, #tpu.memory_space<semaphore_mem>>)
        %dma_wait3A_67 = arith.constant 0 : i32
        %dma_wait3A_68 = tpu.memref_slice %arg5[%arg0, %dma_wait3A_67] : memref<2x8192xf32, #tpu.memory_space<hbm>> -> memref<1x8192xf32, #tpu.memory_space<hbm>>
        %dma_wait3A_69 = tpu.memref_squeeze %dma_wait3A_68 : memref<1x8192xf32, #tpu.memory_space<hbm>> -> memref<8192xf32, #tpu.memory_space<hbm>>
        %dma_wait3A_70 = arith.constant 0 : i32
        %dma_wait3A_71 = tpu.memref_slice %arg5[%arg0, %dma_wait3A_70] : memref<2x8192xf32, #tpu.memory_space<hbm>> -> memref<1x8192xf32, #tpu.memory_space<hbm>>
        %dma_wait3A_72 = tpu.memref_squeeze %dma_wait3A_71 : memref<1x8192xf32, #tpu.memory_space<hbm>> -> memref<8192xf32, #tpu.memory_space<hbm>>
        tpu.wait_dma2 semaphore(%run_scoped3A : memref<!tpu.dma_semaphore, #tpu.memory_space<semaphore_mem>>) src(%arg9 : memref<8192xf32, #tpu.memory_space<vmem>>) dst(%dma_wait3A_72 : memref<8192xf32, #tpu.memory_space<hbm>>)
        tpu.yield
      }) : () -> ()
    } else {
    }
    return
  }
}

module attributes {stable_mosaic.version = 14 : i64} {
  func.func @_dist_argmin_body(%arg0: i32, %arg1: memref<256x256xf32, #tpu.memory_space<vmem>>, %arg2: memref<256x8192xf32, #tpu.memory_space<vmem>>, %arg3: memref<256x1xf32, #tpu.memory_space<vmem>>, %arg4: memref<1x8192xf32, #tpu.memory_space<vmem>>, %arg5: memref<256x1xi32, #tpu.memory_space<vmem>>, %arg6: memref<1x1xf32, #tpu.memory_space<vmem>>) attributes {dimension_semantics = [#tpu.dimension_semantics<arbitrary>], iteration_bounds = array<i64: 64>, scalar_prefetch = 0 : i64, scratch_operands = 0 : i64, tpu.core_type = #tpu.core_type<tc>, window_params = [{transform_indices = @transform_0, window_bounds = array<i64: 256, 256>}, {pipeline_mode = #tpu.pipeline_mode<synchronous>, transform_indices = @transform_1, window_bounds = array<i64: 256, 8192>}, {transform_indices = @transform_2, window_bounds = array<i64: 256, 1>}, {pipeline_mode = #tpu.pipeline_mode<synchronous>, transform_indices = @transform_3, window_bounds = array<i64: 1, 8192>}, {transform_indices = @transform_4, window_bounds = array<i64: 256, 1>}, {pipeline_mode = #tpu.pipeline_mode<synchronous>, transform_indices = @transform_5, window_bounds = array<i64: 1, 1>}]} {
    %get3A = arith.constant 0 : index
    %get3A_0 = arith.constant 0 : index
    %get3A_1 = vector.load %arg1[%get3A, %get3A_0] : memref<256x256xf32, #tpu.memory_space<vmem>>, vector<256x256xf32>
    %convert_element_type3A = arith.truncf %get3A_1 : vector<256x256xf32> to vector<256x256xbf16>
    %get3A_2 = arith.constant 0 : index
    %get3A_3 = arith.constant 0 : index
    %get3A_4 = vector.load %arg2[%get3A_2, %get3A_3] : memref<256x8192xf32, #tpu.memory_space<vmem>>, vector<256x8192xf32>
    %convert_element_type3A_5 = arith.truncf %get3A_4 : vector<256x8192xf32> to vector<256x8192xbf16>
    %dot_general3A = arith.constant dense<0.000000e+00> : vector<256x8192xf32>
    %dot_general3A_6 = tpu.matmul %convert_element_type3A, %convert_element_type3A_5, %dot_general3A {dimension_numbers = #tpu.dot_dimension_numbers<[1], [0], [0], [1], [0, 0, 1, 1], [], []>, transpose_lhs_hint = false} : vector<256x256xbf16>, vector<256x8192xbf16>, vector<256x8192xf32> -> vector<256x8192xf32>
    %get3A_7 = arith.constant 0 : index
    %get3A_8 = arith.constant 0 : index
    %get3A_9 = vector.load %arg3[%get3A_7, %get3A_8] : memref<256x1xf32, #tpu.memory_space<vmem>>, vector<256x1xf32>
    %get3A_10 = arith.constant 0 : index
    %get3A_11 = arith.constant 0 : index
    %get3A_12 = vector.load %arg4[%get3A_10, %get3A_11] : memref<1x8192xf32, #tpu.memory_space<vmem>>, vector<1x8192xf32>
    %add3A = vector.broadcast %get3A_9 : vector<256x1xf32> to vector<256x8192xf32>
    %add3A_13 = vector.broadcast %get3A_12 : vector<1x8192xf32> to vector<256x8192xf32>
    %add3A_14 = arith.addf %add3A, %add3A_13 : vector<256x8192xf32>
    %mul3A = arith.constant 2.000000e+00 : f32
    %mul3A_15 = vector.broadcast %mul3A : f32 to vector<256x8192xf32>
    %mul3A_16 = arith.mulf %mul3A_15, %dot_general3A_6 : vector<256x8192xf32>
    %sub3A = arith.subf %add3A_14, %mul3A_16 : vector<256x8192xf32>
    %slice3A = vector.extract_strided_slice %sub3A {offsets = [0, 0], sizes = [256, 128], strides = [1, 1]} : vector<256x8192xf32> to vector<256x128xf32>
    %broadcast_in_dim3A = arith.constant 0 : i32
    %broadcast_in_dim3A_17 = vector.broadcast %broadcast_in_dim3A : i32 to vector<256x128xi32>
    %slice3A_18 = vector.extract_strided_slice %sub3A {offsets = [0, 128], sizes = [256, 128], strides = [1, 1]} : vector<256x8192xf32> to vector<256x128xf32>
    %lt3A = arith.cmpf olt, %slice3A_18, %slice3A : vector<256x128xf32>
    %jit3A = arith.constant 1 : i32
    %broadcast_in_dim3A_19 = vector.broadcast %jit3A : i32 to vector<256x128xi32>
    %select_n3A = arith.select %lt3A, %broadcast_in_dim3A_19, %broadcast_in_dim3A_17 : vector<256x128xi1>, vector<256x128xi32>
    %min3A = arith.minimumf %slice3A, %slice3A_18 : vector<256x128xf32>
    %slice3A_20 = vector.extract_strided_slice %sub3A {offsets = [0, 256], sizes = [256, 128], strides = [1, 1]} : vector<256x8192xf32> to vector<256x128xf32>
    %lt3A_21 = arith.cmpf olt, %slice3A_20, %min3A : vector<256x128xf32>
    %jit3A_22 = arith.constant 2 : i32
    %broadcast_in_dim3A_23 = vector.broadcast %jit3A_22 : i32 to vector<256x128xi32>
    %select_n3A_24 = arith.select %lt3A_21, %broadcast_in_dim3A_23, %select_n3A : vector<256x128xi1>, vector<256x128xi32>
    %min3A_25 = arith.minimumf %min3A, %slice3A_20 : vector<256x128xf32>
    %slice3A_26 = vector.extract_strided_slice %sub3A {offsets = [0, 384], sizes = [256, 128], strides = [1, 1]} : vector<256x8192xf32> to vector<256x128xf32>
    %lt3A_27 = arith.cmpf olt, %slice3A_26, %min3A_25 : vector<256x128xf32>
    %jit3A_28 = arith.constant 3 : i32
    %broadcast_in_dim3A_29 = vector.broadcast %jit3A_28 : i32 to vector<256x128xi32>
    %select_n3A_30 = arith.select %lt3A_27, %broadcast_in_dim3A_29, %select_n3A_24 : vector<256x128xi1>, vector<256x128xi32>
    %min3A_31 = arith.minimumf %min3A_25, %slice3A_26 : vector<256x128xf32>
    %slice3A_32 = vector.extract_strided_slice %sub3A {offsets = [0, 512], sizes = [256, 128], strides = [1, 1]} : vector<256x8192xf32> to vector<256x128xf32>
    %lt3A_33 = arith.cmpf olt, %slice3A_32, %min3A_31 : vector<256x128xf32>
    %jit3A_34 = arith.constant 4 : i32
    %broadcast_in_dim3A_35 = vector.broadcast %jit3A_34 : i32 to vector<256x128xi32>
    %select_n3A_36 = arith.select %lt3A_33, %broadcast_in_dim3A_35, %select_n3A_30 : vector<256x128xi1>, vector<256x128xi32>
    %min3A_37 = arith.minimumf %min3A_31, %slice3A_32 : vector<256x128xf32>
    %slice3A_38 = vector.extract_strided_slice %sub3A {offsets = [0, 640], sizes = [256, 128], strides = [1, 1]} : vector<256x8192xf32> to vector<256x128xf32>
    %lt3A_39 = arith.cmpf olt, %slice3A_38, %min3A_37 : vector<256x128xf32>
    %jit3A_40 = arith.constant 5 : i32
    %broadcast_in_dim3A_41 = vector.broadcast %jit3A_40 : i32 to vector<256x128xi32>
    %select_n3A_42 = arith.select %lt3A_39, %broadcast_in_dim3A_41, %select_n3A_36 : vector<256x128xi1>, vector<256x128xi32>
    %min3A_43 = arith.minimumf %min3A_37, %slice3A_38 : vector<256x128xf32>
    %slice3A_44 = vector.extract_strided_slice %sub3A {offsets = [0, 768], sizes = [256, 128], strides = [1, 1]} : vector<256x8192xf32> to vector<256x128xf32>
    %lt3A_45 = arith.cmpf olt, %slice3A_44, %min3A_43 : vector<256x128xf32>
    %jit3A_46 = arith.constant 6 : i32
    %broadcast_in_dim3A_47 = vector.broadcast %jit3A_46 : i32 to vector<256x128xi32>
    %select_n3A_48 = arith.select %lt3A_45, %broadcast_in_dim3A_47, %select_n3A_42 : vector<256x128xi1>, vector<256x128xi32>
    %min3A_49 = arith.minimumf %min3A_43, %slice3A_44 : vector<256x128xf32>
    %slice3A_50 = vector.extract_strided_slice %sub3A {offsets = [0, 896], sizes = [256, 128], strides = [1, 1]} : vector<256x8192xf32> to vector<256x128xf32>
    %lt3A_51 = arith.cmpf olt, %slice3A_50, %min3A_49 : vector<256x128xf32>
    %jit3A_52 = arith.constant 7 : i32
    %broadcast_in_dim3A_53 = vector.broadcast %jit3A_52 : i32 to vector<256x128xi32>
    %select_n3A_54 = arith.select %lt3A_51, %broadcast_in_dim3A_53, %select_n3A_48 : vector<256x128xi1>, vector<256x128xi32>
    %min3A_55 = arith.minimumf %min3A_49, %slice3A_50 : vector<256x128xf32>
    %slice3A_56 = vector.extract_strided_slice %sub3A {offsets = [0, 1024], sizes = [256, 128], strides = [1, 1]} : vector<256x8192xf32> to vector<256x128xf32>
    %lt3A_57 = arith.cmpf olt, %slice3A_56, %min3A_55 : vector<256x128xf32>
    %jit3A_58 = arith.constant 8 : i32
    %broadcast_in_dim3A_59 = vector.broadcast %jit3A_58 : i32 to vector<256x128xi32>
    %select_n3A_60 = arith.select %lt3A_57, %broadcast_in_dim3A_59, %select_n3A_54 : vector<256x128xi1>, vector<256x128xi32>
    %min3A_61 = arith.minimumf %min3A_55, %slice3A_56 : vector<256x128xf32>
    %slice3A_62 = vector.extract_strided_slice %sub3A {offsets = [0, 1152], sizes = [256, 128], strides = [1, 1]} : vector<256x8192xf32> to vector<256x128xf32>
    %lt3A_63 = arith.cmpf olt, %slice3A_62, %min3A_61 : vector<256x128xf32>
    %jit3A_64 = arith.constant 9 : i32
    %broadcast_in_dim3A_65 = vector.broadcast %jit3A_64 : i32 to vector<256x128xi32>
    %select_n3A_66 = arith.select %lt3A_63, %broadcast_in_dim3A_65, %select_n3A_60 : vector<256x128xi1>, vector<256x128xi32>
    %min3A_67 = arith.minimumf %min3A_61, %slice3A_62 : vector<256x128xf32>
    %slice3A_68 = vector.extract_strided_slice %sub3A {offsets = [0, 1280], sizes = [256, 128], strides = [1, 1]} : vector<256x8192xf32> to vector<256x128xf32>
    %lt3A_69 = arith.cmpf olt, %slice3A_68, %min3A_67 : vector<256x128xf32>
    %jit3A_70 = arith.constant 10 : i32
    %broadcast_in_dim3A_71 = vector.broadcast %jit3A_70 : i32 to vector<256x128xi32>
    %select_n3A_72 = arith.select %lt3A_69, %broadcast_in_dim3A_71, %select_n3A_66 : vector<256x128xi1>, vector<256x128xi32>
    %min3A_73 = arith.minimumf %min3A_67, %slice3A_68 : vector<256x128xf32>
    %slice3A_74 = vector.extract_strided_slice %sub3A {offsets = [0, 1408], sizes = [256, 128], strides = [1, 1]} : vector<256x8192xf32> to vector<256x128xf32>
    %lt3A_75 = arith.cmpf olt, %slice3A_74, %min3A_73 : vector<256x128xf32>
    %jit3A_76 = arith.constant 11 : i32
    %broadcast_in_dim3A_77 = vector.broadcast %jit3A_76 : i32 to vector<256x128xi32>
    %select_n3A_78 = arith.select %lt3A_75, %broadcast_in_dim3A_77, %select_n3A_72 : vector<256x128xi1>, vector<256x128xi32>
    %min3A_79 = arith.minimumf %min3A_73, %slice3A_74 : vector<256x128xf32>
    %slice3A_80 = vector.extract_strided_slice %sub3A {offsets = [0, 1536], sizes = [256, 128], strides = [1, 1]} : vector<256x8192xf32> to vector<256x128xf32>
    %lt3A_81 = arith.cmpf olt, %slice3A_80, %min3A_79 : vector<256x128xf32>
    %jit3A_82 = arith.constant 12 : i32
    %broadcast_in_dim3A_83 = vector.broadcast %jit3A_82 : i32 to vector<256x128xi32>
    %select_n3A_84 = arith.select %lt3A_81, %broadcast_in_dim3A_83, %select_n3A_78 : vector<256x128xi1>, vector<256x128xi32>
    %min3A_85 = arith.minimumf %min3A_79, %slice3A_80 : vector<256x128xf32>
    %slice3A_86 = vector.extract_strided_slice %sub3A {offsets = [0, 1664], sizes = [256, 128], strides = [1, 1]} : vector<256x8192xf32> to vector<256x128xf32>
    %lt3A_87 = arith.cmpf olt, %slice3A_86, %min3A_85 : vector<256x128xf32>
    %jit3A_88 = arith.constant 13 : i32
    %broadcast_in_dim3A_89 = vector.broadcast %jit3A_88 : i32 to vector<256x128xi32>
    %select_n3A_90 = arith.select %lt3A_87, %broadcast_in_dim3A_89, %select_n3A_84 : vector<256x128xi1>, vector<256x128xi32>
    %min3A_91 = arith.minimumf %min3A_85, %slice3A_86 : vector<256x128xf32>
    %slice3A_92 = vector.extract_strided_slice %sub3A {offsets = [0, 1792], sizes = [256, 128], strides = [1, 1]} : vector<256x8192xf32> to vector<256x128xf32>
    %lt3A_93 = arith.cmpf olt, %slice3A_92, %min3A_91 : vector<256x128xf32>
    %jit3A_94 = arith.constant 14 : i32
    %broadcast_in_dim3A_95 = vector.broadcast %jit3A_94 : i32 to vector<256x128xi32>
    %select_n3A_96 = arith.select %lt3A_93, %broadcast_in_dim3A_95, %select_n3A_90 : vector<256x128xi1>, vector<256x128xi32>
    %min3A_97 = arith.minimumf %min3A_91, %slice3A_92 : vector<256x128xf32>
    %slice3A_98 = vector.extract_strided_slice %sub3A {offsets = [0, 1920], sizes = [256, 128], strides = [1, 1]} : vector<256x8192xf32> to vector<256x128xf32>
    %lt3A_99 = arith.cmpf olt, %slice3A_98, %min3A_97 : vector<256x128xf32>
    %jit3A_100 = arith.constant 15 : i32
    %broadcast_in_dim3A_101 = vector.broadcast %jit3A_100 : i32 to vector<256x128xi32>
    %select_n3A_102 = arith.select %lt3A_99, %broadcast_in_dim3A_101, %select_n3A_96 : vector<256x128xi1>, vector<256x128xi32>
    %min3A_103 = arith.minimumf %min3A_97, %slice3A_98 : vector<256x128xf32>
    %slice3A_104 = vector.extract_strided_slice %sub3A {offsets = [0, 2048], sizes = [256, 128], strides = [1, 1]} : vector<256x8192xf32> to vector<256x128xf32>
    %lt3A_105 = arith.cmpf olt, %slice3A_104, %min3A_103 : vector<256x128xf32>
    %jit3A_106 = arith.constant 16 : i32
    %broadcast_in_dim3A_107 = vector.broadcast %jit3A_106 : i32 to vector<256x128xi32>
    %select_n3A_108 = arith.select %lt3A_105, %broadcast_in_dim3A_107, %select_n3A_102 : vector<256x128xi1>, vector<256x128xi32>
    %min3A_109 = arith.minimumf %min3A_103, %slice3A_104 : vector<256x128xf32>
    %slice3A_110 = vector.extract_strided_slice %sub3A {offsets = [0, 2176], sizes = [256, 128], strides = [1, 1]} : vector<256x8192xf32> to vector<256x128xf32>
    %lt3A_111 = arith.cmpf olt, %slice3A_110, %min3A_109 : vector<256x128xf32>
    %jit3A_112 = arith.constant 17 : i32
    %broadcast_in_dim3A_113 = vector.broadcast %jit3A_112 : i32 to vector<256x128xi32>
    %select_n3A_114 = arith.select %lt3A_111, %broadcast_in_dim3A_113, %select_n3A_108 : vector<256x128xi1>, vector<256x128xi32>
    %min3A_115 = arith.minimumf %min3A_109, %slice3A_110 : vector<256x128xf32>
    %slice3A_116 = vector.extract_strided_slice %sub3A {offsets = [0, 2304], sizes = [256, 128], strides = [1, 1]} : vector<256x8192xf32> to vector<256x128xf32>
    %lt3A_117 = arith.cmpf olt, %slice3A_116, %min3A_115 : vector<256x128xf32>
    %jit3A_118 = arith.constant 18 : i32
    %broadcast_in_dim3A_119 = vector.broadcast %jit3A_118 : i32 to vector<256x128xi32>
    %select_n3A_120 = arith.select %lt3A_117, %broadcast_in_dim3A_119, %select_n3A_114 : vector<256x128xi1>, vector<256x128xi32>
    %min3A_121 = arith.minimumf %min3A_115, %slice3A_116 : vector<256x128xf32>
    %slice3A_122 = vector.extract_strided_slice %sub3A {offsets = [0, 2432], sizes = [256, 128], strides = [1, 1]} : vector<256x8192xf32> to vector<256x128xf32>
    %lt3A_123 = arith.cmpf olt, %slice3A_122, %min3A_121 : vector<256x128xf32>
    %jit3A_124 = arith.constant 19 : i32
    %broadcast_in_dim3A_125 = vector.broadcast %jit3A_124 : i32 to vector<256x128xi32>
    %select_n3A_126 = arith.select %lt3A_123, %broadcast_in_dim3A_125, %select_n3A_120 : vector<256x128xi1>, vector<256x128xi32>
    %min3A_127 = arith.minimumf %min3A_121, %slice3A_122 : vector<256x128xf32>
    %slice3A_128 = vector.extract_strided_slice %sub3A {offsets = [0, 2560], sizes = [256, 128], strides = [1, 1]} : vector<256x8192xf32> to vector<256x128xf32>
    %lt3A_129 = arith.cmpf olt, %slice3A_128, %min3A_127 : vector<256x128xf32>
    %jit3A_130 = arith.constant 20 : i32
    %broadcast_in_dim3A_131 = vector.broadcast %jit3A_130 : i32 to vector<256x128xi32>
    %select_n3A_132 = arith.select %lt3A_129, %broadcast_in_dim3A_131, %select_n3A_126 : vector<256x128xi1>, vector<256x128xi32>
    %min3A_133 = arith.minimumf %min3A_127, %slice3A_128 : vector<256x128xf32>
    %slice3A_134 = vector.extract_strided_slice %sub3A {offsets = [0, 2688], sizes = [256, 128], strides = [1, 1]} : vector<256x8192xf32> to vector<256x128xf32>
    %iota3A = tpu.iota {dimensions = array<i32: 1>} : vector<256x128xi32>
    %ge3A = arith.constant 0 : i32
    %ge3A_135 = vector.broadcast %ge3A : i32 to vector<256x128xi32>
    %ge3A_136 = arith.cmpi sge, %iota3A, %ge3A_135 : vector<256x128xi32>
    %lt3A_137 = arith.constant 48 : i32
    %lt3A_138 = vector.broadcast %lt3A_137 : i32 to vector<256x128xi32>
    %lt3A_139 = arith.cmpi slt, %iota3A, %lt3A_138 : vector<256x128xi32>
    %and3A = arith.andi %ge3A_136, %lt3A_139 : vector<256x128xi1>
    %jit3A_140 = arith.constant 0x7F800000 : f32
    %broadcast_in_dim3A_141 = vector.broadcast %jit3A_140 : f32 to vector<256x128xf32>
    %select_n3A_142 = arith.select %and3A, %slice3A_134, %broadcast_in_dim3A_141 : vector<256x128xi1>, vector<256x128xf32>
    %lt3A_143 = arith.cmpf olt, %select_n3A_142, %min3A_133 : vector<256x128xf32>
    %jit3A_144 = arith.constant 21 : i32
    %broadcast_in_dim3A_145 = vector.broadcast %jit3A_144 : i32 to vector<256x128xi32>
    %select_n3A_146 = arith.select %lt3A_143, %broadcast_in_dim3A_145, %select_n3A_132 : vector<256x128xi1>, vector<256x128xi32>
    %min3A_147 = arith.minimumf %min3A_133, %select_n3A_142 : vector<256x128xf32>
    %iota3A_148 = tpu.iota {dimensions = array<i32: 1>} : vector<256x128xi32>
    %mul3A_149 = arith.constant 128 : i32
    %mul3A_150 = vector.broadcast %mul3A_149 : i32 to vector<256x128xi32>
    %mul3A_151 = arith.muli %select_n3A_146, %mul3A_150 : vector<256x128xi32>
    %add3A_152 = arith.addi %mul3A_151, %iota3A_148 : vector<256x128xi32>
    %reduce_min3A = arith.constant dense<0x7F800000> : vector<256xf32>
    %reduce_min3A_153 = vector.multi_reduction <minimumf>, %min3A_147, %reduce_min3A [1] : vector<256x128xf32> to vector<256xf32>
    %broadcast_in_dim3A_154 = vector.shape_cast %reduce_min3A_153 : vector<256xf32> to vector<256x1xf32>
    %eq3A = vector.broadcast %broadcast_in_dim3A_154 : vector<256x1xf32> to vector<256x128xf32>
    %eq3A_155 = arith.cmpf oeq, %min3A_147, %eq3A : vector<256x128xf32>
    %jit3A_156 = arith.constant 8192 : i32
    %broadcast_in_dim3A_157 = vector.broadcast %jit3A_156 : i32 to vector<256x128xi32>
    %select_n3A_158 = arith.select %eq3A_155, %add3A_152, %broadcast_in_dim3A_157 : vector<256x128xi1>, vector<256x128xi32>
    %reduce_min3A_159 = arith.constant dense<2147483647> : vector<256xi32>
    %reduce_min3A_160 = vector.multi_reduction <minsi>, %select_n3A_158, %reduce_min3A_159 [1] : vector<256x128xi32> to vector<256xi32>
    %broadcast_in_dim3A_161 = vector.shape_cast %reduce_min3A_160 : vector<256xi32> to vector<256x1xi32>
    %slice3A_162 = vector.extract_strided_slice %sub3A {offsets = [0, 2688], sizes = [256, 128], strides = [1, 1]} : vector<256x8192xf32> to vector<256x128xf32>
    %iota3A_163 = tpu.iota {dimensions = array<i32: 1>} : vector<256x128xi32>
    %ge3A_164 = arith.constant 48 : i32
    %ge3A_165 = vector.broadcast %ge3A_164 : i32 to vector<256x128xi32>
    %ge3A_166 = arith.cmpi sge, %iota3A_163, %ge3A_165 : vector<256x128xi32>
    %lt3A_167 = arith.constant 128 : i32
    %lt3A_168 = vector.broadcast %lt3A_167 : i32 to vector<256x128xi32>
    %lt3A_169 = arith.cmpi slt, %iota3A_163, %lt3A_168 : vector<256x128xi32>
    %and3A_170 = arith.andi %ge3A_166, %lt3A_169 : vector<256x128xi1>
    %jit3A_171 = arith.constant 0x7F800000 : f32
    %broadcast_in_dim3A_172 = vector.broadcast %jit3A_171 : f32 to vector<256x128xf32>
    %select_n3A_173 = arith.select %and3A_170, %slice3A_162, %broadcast_in_dim3A_172 : vector<256x128xi1>, vector<256x128xf32>
    %broadcast_in_dim3A_174 = arith.constant 21 : i32
    %broadcast_in_dim3A_175 = vector.broadcast %broadcast_in_dim3A_174 : i32 to vector<256x128xi32>
    %slice3A_176 = vector.extract_strided_slice %sub3A {offsets = [0, 2816], sizes = [256, 128], strides = [1, 1]} : vector<256x8192xf32> to vector<256x128xf32>
    %lt3A_177 = arith.cmpf olt, %slice3A_176, %select_n3A_173 : vector<256x128xf32>
    %jit3A_178 = arith.constant 22 : i32
    %broadcast_in_dim3A_179 = vector.broadcast %jit3A_178 : i32 to vector<256x128xi32>
    %select_n3A_180 = arith.select %lt3A_177, %broadcast_in_dim3A_179, %broadcast_in_dim3A_175 : vector<256x128xi1>, vector<256x128xi32>
    %min3A_181 = arith.minimumf %select_n3A_173, %slice3A_176 : vector<256x128xf32>
    %slice3A_182 = vector.extract_strided_slice %sub3A {offsets = [0, 2944], sizes = [256, 128], strides = [1, 1]} : vector<256x8192xf32> to vector<256x128xf32>
    %lt3A_183 = arith.cmpf olt, %slice3A_182, %min3A_181 : vector<256x128xf32>
    %jit3A_184 = arith.constant 23 : i32
    %broadcast_in_dim3A_185 = vector.broadcast %jit3A_184 : i32 to vector<256x128xi32>
    %select_n3A_186 = arith.select %lt3A_183, %broadcast_in_dim3A_185, %select_n3A_180 : vector<256x128xi1>, vector<256x128xi32>
    %min3A_187 = arith.minimumf %min3A_181, %slice3A_182 : vector<256x128xf32>
    %slice3A_188 = vector.extract_strided_slice %sub3A {offsets = [0, 3072], sizes = [256, 128], strides = [1, 1]} : vector<256x8192xf32> to vector<256x128xf32>
    %lt3A_189 = arith.cmpf olt, %slice3A_188, %min3A_187 : vector<256x128xf32>
    %jit3A_190 = arith.constant 24 : i32
    %broadcast_in_dim3A_191 = vector.broadcast %jit3A_190 : i32 to vector<256x128xi32>
    %select_n3A_192 = arith.select %lt3A_189, %broadcast_in_dim3A_191, %select_n3A_186 : vector<256x128xi1>, vector<256x128xi32>
    %min3A_193 = arith.minimumf %min3A_187, %slice3A_188 : vector<256x128xf32>
    %slice3A_194 = vector.extract_strided_slice %sub3A {offsets = [0, 3200], sizes = [256, 128], strides = [1, 1]} : vector<256x8192xf32> to vector<256x128xf32>
    %lt3A_195 = arith.cmpf olt, %slice3A_194, %min3A_193 : vector<256x128xf32>
    %jit3A_196 = arith.constant 25 : i32
    %broadcast_in_dim3A_197 = vector.broadcast %jit3A_196 : i32 to vector<256x128xi32>
    %select_n3A_198 = arith.select %lt3A_195, %broadcast_in_dim3A_197, %select_n3A_192 : vector<256x128xi1>, vector<256x128xi32>
    %min3A_199 = arith.minimumf %min3A_193, %slice3A_194 : vector<256x128xf32>
    %slice3A_200 = vector.extract_strided_slice %sub3A {offsets = [0, 3328], sizes = [256, 128], strides = [1, 1]} : vector<256x8192xf32> to vector<256x128xf32>
    %lt3A_201 = arith.cmpf olt, %slice3A_200, %min3A_199 : vector<256x128xf32>
    %jit3A_202 = arith.constant 26 : i32
    %broadcast_in_dim3A_203 = vector.broadcast %jit3A_202 : i32 to vector<256x128xi32>
    %select_n3A_204 = arith.select %lt3A_201, %broadcast_in_dim3A_203, %select_n3A_198 : vector<256x128xi1>, vector<256x128xi32>
    %min3A_205 = arith.minimumf %min3A_199, %slice3A_200 : vector<256x128xf32>
    %slice3A_206 = vector.extract_strided_slice %sub3A {offsets = [0, 3456], sizes = [256, 128], strides = [1, 1]} : vector<256x8192xf32> to vector<256x128xf32>
    %lt3A_207 = arith.cmpf olt, %slice3A_206, %min3A_205 : vector<256x128xf32>
    %jit3A_208 = arith.constant 27 : i32
    %broadcast_in_dim3A_209 = vector.broadcast %jit3A_208 : i32 to vector<256x128xi32>
    %select_n3A_210 = arith.select %lt3A_207, %broadcast_in_dim3A_209, %select_n3A_204 : vector<256x128xi1>, vector<256x128xi32>
    %min3A_211 = arith.minimumf %min3A_205, %slice3A_206 : vector<256x128xf32>
    %slice3A_212 = vector.extract_strided_slice %sub3A {offsets = [0, 3584], sizes = [256, 128], strides = [1, 1]} : vector<256x8192xf32> to vector<256x128xf32>
    %lt3A_213 = arith.cmpf olt, %slice3A_212, %min3A_211 : vector<256x128xf32>
    %jit3A_214 = arith.constant 28 : i32
    %broadcast_in_dim3A_215 = vector.broadcast %jit3A_214 : i32 to vector<256x128xi32>
    %select_n3A_216 = arith.select %lt3A_213, %broadcast_in_dim3A_215, %select_n3A_210 : vector<256x128xi1>, vector<256x128xi32>
    %min3A_217 = arith.minimumf %min3A_211, %slice3A_212 : vector<256x128xf32>
    %slice3A_218 = vector.extract_strided_slice %sub3A {offsets = [0, 3712], sizes = [256, 128], strides = [1, 1]} : vector<256x8192xf32> to vector<256x128xf32>
    %lt3A_219 = arith.cmpf olt, %slice3A_218, %min3A_217 : vector<256x128xf32>
    %jit3A_220 = arith.constant 29 : i32
    %broadcast_in_dim3A_221 = vector.broadcast %jit3A_220 : i32 to vector<256x128xi32>
    %select_n3A_222 = arith.select %lt3A_219, %broadcast_in_dim3A_221, %select_n3A_216 : vector<256x128xi1>, vector<256x128xi32>
    %min3A_223 = arith.minimumf %min3A_217, %slice3A_218 : vector<256x128xf32>
    %slice3A_224 = vector.extract_strided_slice %sub3A {offsets = [0, 3840], sizes = [256, 128], strides = [1, 1]} : vector<256x8192xf32> to vector<256x128xf32>
    %lt3A_225 = arith.cmpf olt, %slice3A_224, %min3A_223 : vector<256x128xf32>
    %jit3A_226 = arith.constant 30 : i32
    %broadcast_in_dim3A_227 = vector.broadcast %jit3A_226 : i32 to vector<256x128xi32>
    %select_n3A_228 = arith.select %lt3A_225, %broadcast_in_dim3A_227, %select_n3A_222 : vector<256x128xi1>, vector<256x128xi32>
    %min3A_229 = arith.minimumf %min3A_223, %slice3A_224 : vector<256x128xf32>
    %slice3A_230 = vector.extract_strided_slice %sub3A {offsets = [0, 3968], sizes = [256, 128], strides = [1, 1]} : vector<256x8192xf32> to vector<256x128xf32>
    %lt3A_231 = arith.cmpf olt, %slice3A_230, %min3A_229 : vector<256x128xf32>
    %jit3A_232 = arith.constant 31 : i32
    %broadcast_in_dim3A_233 = vector.broadcast %jit3A_232 : i32 to vector<256x128xi32>
    %select_n3A_234 = arith.select %lt3A_231, %broadcast_in_dim3A_233, %select_n3A_228 : vector<256x128xi1>, vector<256x128xi32>
    %min3A_235 = arith.minimumf %min3A_229, %slice3A_230 : vector<256x128xf32>
    %slice3A_236 = vector.extract_strided_slice %sub3A {offsets = [0, 4096], sizes = [256, 128], strides = [1, 1]} : vector<256x8192xf32> to vector<256x128xf32>
    %lt3A_237 = arith.cmpf olt, %slice3A_236, %min3A_235 : vector<256x128xf32>
    %jit3A_238 = arith.constant 32 : i32
    %broadcast_in_dim3A_239 = vector.broadcast %jit3A_238 : i32 to vector<256x128xi32>
    %select_n3A_240 = arith.select %lt3A_237, %broadcast_in_dim3A_239, %select_n3A_234 : vector<256x128xi1>, vector<256x128xi32>
    %min3A_241 = arith.minimumf %min3A_235, %slice3A_236 : vector<256x128xf32>
    %slice3A_242 = vector.extract_strided_slice %sub3A {offsets = [0, 4224], sizes = [256, 128], strides = [1, 1]} : vector<256x8192xf32> to vector<256x128xf32>
    %lt3A_243 = arith.cmpf olt, %slice3A_242, %min3A_241 : vector<256x128xf32>
    %jit3A_244 = arith.constant 33 : i32
    %broadcast_in_dim3A_245 = vector.broadcast %jit3A_244 : i32 to vector<256x128xi32>
    %select_n3A_246 = arith.select %lt3A_243, %broadcast_in_dim3A_245, %select_n3A_240 : vector<256x128xi1>, vector<256x128xi32>
    %min3A_247 = arith.minimumf %min3A_241, %slice3A_242 : vector<256x128xf32>
    %slice3A_248 = vector.extract_strided_slice %sub3A {offsets = [0, 4352], sizes = [256, 128], strides = [1, 1]} : vector<256x8192xf32> to vector<256x128xf32>
    %lt3A_249 = arith.cmpf olt, %slice3A_248, %min3A_247 : vector<256x128xf32>
    %jit3A_250 = arith.constant 34 : i32
    %broadcast_in_dim3A_251 = vector.broadcast %jit3A_250 : i32 to vector<256x128xi32>
    %select_n3A_252 = arith.select %lt3A_249, %broadcast_in_dim3A_251, %select_n3A_246 : vector<256x128xi1>, vector<256x128xi32>
    %min3A_253 = arith.minimumf %min3A_247, %slice3A_248 : vector<256x128xf32>
    %slice3A_254 = vector.extract_strided_slice %sub3A {offsets = [0, 4480], sizes = [256, 128], strides = [1, 1]} : vector<256x8192xf32> to vector<256x128xf32>
    %lt3A_255 = arith.cmpf olt, %slice3A_254, %min3A_253 : vector<256x128xf32>
    %jit3A_256 = arith.constant 35 : i32
    %broadcast_in_dim3A_257 = vector.broadcast %jit3A_256 : i32 to vector<256x128xi32>
    %select_n3A_258 = arith.select %lt3A_255, %broadcast_in_dim3A_257, %select_n3A_252 : vector<256x128xi1>, vector<256x128xi32>
    %min3A_259 = arith.minimumf %min3A_253, %slice3A_254 : vector<256x128xf32>
    %slice3A_260 = vector.extract_strided_slice %sub3A {offsets = [0, 4608], sizes = [256, 128], strides = [1, 1]} : vector<256x8192xf32> to vector<256x128xf32>
    %lt3A_261 = arith.cmpf olt, %slice3A_260, %min3A_259 : vector<256x128xf32>
    %jit3A_262 = arith.constant 36 : i32
    %broadcast_in_dim3A_263 = vector.broadcast %jit3A_262 : i32 to vector<256x128xi32>
    %select_n3A_264 = arith.select %lt3A_261, %broadcast_in_dim3A_263, %select_n3A_258 : vector<256x128xi1>, vector<256x128xi32>
    %min3A_265 = arith.minimumf %min3A_259, %slice3A_260 : vector<256x128xf32>
    %slice3A_266 = vector.extract_strided_slice %sub3A {offsets = [0, 4736], sizes = [256, 128], strides = [1, 1]} : vector<256x8192xf32> to vector<256x128xf32>
    %lt3A_267 = arith.cmpf olt, %slice3A_266, %min3A_265 : vector<256x128xf32>
    %jit3A_268 = arith.constant 37 : i32
    %broadcast_in_dim3A_269 = vector.broadcast %jit3A_268 : i32 to vector<256x128xi32>
    %select_n3A_270 = arith.select %lt3A_267, %broadcast_in_dim3A_269, %select_n3A_264 : vector<256x128xi1>, vector<256x128xi32>
    %min3A_271 = arith.minimumf %min3A_265, %slice3A_266 : vector<256x128xf32>
    %slice3A_272 = vector.extract_strided_slice %sub3A {offsets = [0, 4864], sizes = [256, 128], strides = [1, 1]} : vector<256x8192xf32> to vector<256x128xf32>
    %lt3A_273 = arith.cmpf olt, %slice3A_272, %min3A_271 : vector<256x128xf32>
    %jit3A_274 = arith.constant 38 : i32
    %broadcast_in_dim3A_275 = vector.broadcast %jit3A_274 : i32 to vector<256x128xi32>
    %select_n3A_276 = arith.select %lt3A_273, %broadcast_in_dim3A_275, %select_n3A_270 : vector<256x128xi1>, vector<256x128xi32>
    %min3A_277 = arith.minimumf %min3A_271, %slice3A_272 : vector<256x128xf32>
    %slice3A_278 = vector.extract_strided_slice %sub3A {offsets = [0, 4992], sizes = [256, 128], strides = [1, 1]} : vector<256x8192xf32> to vector<256x128xf32>
    %lt3A_279 = arith.cmpf olt, %slice3A_278, %min3A_277 : vector<256x128xf32>
    %jit3A_280 = arith.constant 39 : i32
    %broadcast_in_dim3A_281 = vector.broadcast %jit3A_280 : i32 to vector<256x128xi32>
    %select_n3A_282 = arith.select %lt3A_279, %broadcast_in_dim3A_281, %select_n3A_276 : vector<256x128xi1>, vector<256x128xi32>
    %min3A_283 = arith.minimumf %min3A_277, %slice3A_278 : vector<256x128xf32>
    %slice3A_284 = vector.extract_strided_slice %sub3A {offsets = [0, 5120], sizes = [256, 128], strides = [1, 1]} : vector<256x8192xf32> to vector<256x128xf32>
    %lt3A_285 = arith.cmpf olt, %slice3A_284, %min3A_283 : vector<256x128xf32>
    %jit3A_286 = arith.constant 40 : i32
    %broadcast_in_dim3A_287 = vector.broadcast %jit3A_286 : i32 to vector<256x128xi32>
    %select_n3A_288 = arith.select %lt3A_285, %broadcast_in_dim3A_287, %select_n3A_282 : vector<256x128xi1>, vector<256x128xi32>
    %min3A_289 = arith.minimumf %min3A_283, %slice3A_284 : vector<256x128xf32>
    %slice3A_290 = vector.extract_strided_slice %sub3A {offsets = [0, 5248], sizes = [256, 128], strides = [1, 1]} : vector<256x8192xf32> to vector<256x128xf32>
    %lt3A_291 = arith.cmpf olt, %slice3A_290, %min3A_289 : vector<256x128xf32>
    %jit3A_292 = arith.constant 41 : i32
    %broadcast_in_dim3A_293 = vector.broadcast %jit3A_292 : i32 to vector<256x128xi32>
    %select_n3A_294 = arith.select %lt3A_291, %broadcast_in_dim3A_293, %select_n3A_288 : vector<256x128xi1>, vector<256x128xi32>
    %min3A_295 = arith.minimumf %min3A_289, %slice3A_290 : vector<256x128xf32>
    %slice3A_296 = vector.extract_strided_slice %sub3A {offsets = [0, 5376], sizes = [256, 128], strides = [1, 1]} : vector<256x8192xf32> to vector<256x128xf32>
    %iota3A_297 = tpu.iota {dimensions = array<i32: 1>} : vector<256x128xi32>
    %ge3A_298 = arith.constant 0 : i32
    %ge3A_299 = vector.broadcast %ge3A_298 : i32 to vector<256x128xi32>
    %ge3A_300 = arith.cmpi sge, %iota3A_297, %ge3A_299 : vector<256x128xi32>
    %lt3A_301 = arith.constant 96 : i32
    %lt3A_302 = vector.broadcast %lt3A_301 : i32 to vector<256x128xi32>
    %lt3A_303 = arith.cmpi slt, %iota3A_297, %lt3A_302 : vector<256x128xi32>
    %and3A_304 = arith.andi %ge3A_300, %lt3A_303 : vector<256x128xi1>
    %jit3A_305 = arith.constant 0x7F800000 : f32
    %broadcast_in_dim3A_306 = vector.broadcast %jit3A_305 : f32 to vector<256x128xf32>
    %select_n3A_307 = arith.select %and3A_304, %slice3A_296, %broadcast_in_dim3A_306 : vector<256x128xi1>, vector<256x128xf32>
    %lt3A_308 = arith.cmpf olt, %select_n3A_307, %min3A_295 : vector<256x128xf32>
    %jit3A_309 = arith.constant 42 : i32
    %broadcast_in_dim3A_310 = vector.broadcast %jit3A_309 : i32 to vector<256x128xi32>
    %select_n3A_311 = arith.select %lt3A_308, %broadcast_in_dim3A_310, %select_n3A_294 : vector<256x128xi1>, vector<256x128xi32>
    %min3A_312 = arith.minimumf %min3A_295, %select_n3A_307 : vector<256x128xf32>
    %iota3A_313 = tpu.iota {dimensions = array<i32: 1>} : vector<256x128xi32>
    %mul3A_314 = arith.constant 128 : i32
    %mul3A_315 = vector.broadcast %mul3A_314 : i32 to vector<256x128xi32>
    %mul3A_316 = arith.muli %select_n3A_311, %mul3A_315 : vector<256x128xi32>
    %add3A_317 = arith.addi %mul3A_316, %iota3A_313 : vector<256x128xi32>
    %reduce_min3A_318 = arith.constant dense<0x7F800000> : vector<256xf32>
    %reduce_min3A_319 = vector.multi_reduction <minimumf>, %min3A_312, %reduce_min3A_318 [1] : vector<256x128xf32> to vector<256xf32>
    %broadcast_in_dim3A_320 = vector.shape_cast %reduce_min3A_319 : vector<256xf32> to vector<256x1xf32>
    %eq3A_321 = vector.broadcast %broadcast_in_dim3A_320 : vector<256x1xf32> to vector<256x128xf32>
    %eq3A_322 = arith.cmpf oeq, %min3A_312, %eq3A_321 : vector<256x128xf32>
    %jit3A_323 = arith.constant 8192 : i32
    %broadcast_in_dim3A_324 = vector.broadcast %jit3A_323 : i32 to vector<256x128xi32>
    %select_n3A_325 = arith.select %eq3A_322, %add3A_317, %broadcast_in_dim3A_324 : vector<256x128xi1>, vector<256x128xi32>
    %reduce_min3A_326 = arith.constant dense<2147483647> : vector<256xi32>
    %reduce_min3A_327 = vector.multi_reduction <minsi>, %select_n3A_325, %reduce_min3A_326 [1] : vector<256x128xi32> to vector<256xi32>
    %broadcast_in_dim3A_328 = vector.shape_cast %reduce_min3A_327 : vector<256xi32> to vector<256x1xi32>
    %slice3A_329 = vector.extract_strided_slice %sub3A {offsets = [0, 5376], sizes = [256, 128], strides = [1, 1]} : vector<256x8192xf32> to vector<256x128xf32>
    %iota3A_330 = tpu.iota {dimensions = array<i32: 1>} : vector<256x128xi32>
    %ge3A_331 = arith.constant 96 : i32
    %ge3A_332 = vector.broadcast %ge3A_331 : i32 to vector<256x128xi32>
    %ge3A_333 = arith.cmpi sge, %iota3A_330, %ge3A_332 : vector<256x128xi32>
    %lt3A_334 = arith.constant 128 : i32
    %lt3A_335 = vector.broadcast %lt3A_334 : i32 to vector<256x128xi32>
    %lt3A_336 = arith.cmpi slt, %iota3A_330, %lt3A_335 : vector<256x128xi32>
    %and3A_337 = arith.andi %ge3A_333, %lt3A_336 : vector<256x128xi1>
    %jit3A_338 = arith.constant 0x7F800000 : f32
    %broadcast_in_dim3A_339 = vector.broadcast %jit3A_338 : f32 to vector<256x128xf32>
    %select_n3A_340 = arith.select %and3A_337, %slice3A_329, %broadcast_in_dim3A_339 : vector<256x128xi1>, vector<256x128xf32>
    %broadcast_in_dim3A_341 = arith.constant 42 : i32
    %broadcast_in_dim3A_342 = vector.broadcast %broadcast_in_dim3A_341 : i32 to vector<256x128xi32>
    %slice3A_343 = vector.extract_strided_slice %sub3A {offsets = [0, 5504], sizes = [256, 128], strides = [1, 1]} : vector<256x8192xf32> to vector<256x128xf32>
    %lt3A_344 = arith.cmpf olt, %slice3A_343, %select_n3A_340 : vector<256x128xf32>
    %jit3A_345 = arith.constant 43 : i32
    %broadcast_in_dim3A_346 = vector.broadcast %jit3A_345 : i32 to vector<256x128xi32>
    %select_n3A_347 = arith.select %lt3A_344, %broadcast_in_dim3A_346, %broadcast_in_dim3A_342 : vector<256x128xi1>, vector<256x128xi32>
    %min3A_348 = arith.minimumf %select_n3A_340, %slice3A_343 : vector<256x128xf32>
    %slice3A_349 = vector.extract_strided_slice %sub3A {offsets = [0, 5632], sizes = [256, 128], strides = [1, 1]} : vector<256x8192xf32> to vector<256x128xf32>
    %lt3A_350 = arith.cmpf olt, %slice3A_349, %min3A_348 : vector<256x128xf32>
    %jit3A_351 = arith.constant 44 : i32
    %broadcast_in_dim3A_352 = vector.broadcast %jit3A_351 : i32 to vector<256x128xi32>
    %select_n3A_353 = arith.select %lt3A_350, %broadcast_in_dim3A_352, %select_n3A_347 : vector<256x128xi1>, vector<256x128xi32>
    %min3A_354 = arith.minimumf %min3A_348, %slice3A_349 : vector<256x128xf32>
    %slice3A_355 = vector.extract_strided_slice %sub3A {offsets = [0, 5760], sizes = [256, 128], strides = [1, 1]} : vector<256x8192xf32> to vector<256x128xf32>
    %lt3A_356 = arith.cmpf olt, %slice3A_355, %min3A_354 : vector<256x128xf32>
    %jit3A_357 = arith.constant 45 : i32
    %broadcast_in_dim3A_358 = vector.broadcast %jit3A_357 : i32 to vector<256x128xi32>
    %select_n3A_359 = arith.select %lt3A_356, %broadcast_in_dim3A_358, %select_n3A_353 : vector<256x128xi1>, vector<256x128xi32>
    %min3A_360 = arith.minimumf %min3A_354, %slice3A_355 : vector<256x128xf32>
    %slice3A_361 = vector.extract_strided_slice %sub3A {offsets = [0, 5888], sizes = [256, 128], strides = [1, 1]} : vector<256x8192xf32> to vector<256x128xf32>
    %lt3A_362 = arith.cmpf olt, %slice3A_361, %min3A_360 : vector<256x128xf32>
    %jit3A_363 = arith.constant 46 : i32
    %broadcast_in_dim3A_364 = vector.broadcast %jit3A_363 : i32 to vector<256x128xi32>
    %select_n3A_365 = arith.select %lt3A_362, %broadcast_in_dim3A_364, %select_n3A_359 : vector<256x128xi1>, vector<256x128xi32>
    %min3A_366 = arith.minimumf %min3A_360, %slice3A_361 : vector<256x128xf32>
    %slice3A_367 = vector.extract_strided_slice %sub3A {offsets = [0, 6016], sizes = [256, 128], strides = [1, 1]} : vector<256x8192xf32> to vector<256x128xf32>
    %lt3A_368 = arith.cmpf olt, %slice3A_367, %min3A_366 : vector<256x128xf32>
    %jit3A_369 = arith.constant 47 : i32
    %broadcast_in_dim3A_370 = vector.broadcast %jit3A_369 : i32 to vector<256x128xi32>
    %select_n3A_371 = arith.select %lt3A_368, %broadcast_in_dim3A_370, %select_n3A_365 : vector<256x128xi1>, vector<256x128xi32>
    %min3A_372 = arith.minimumf %min3A_366, %slice3A_367 : vector<256x128xf32>
    %slice3A_373 = vector.extract_strided_slice %sub3A {offsets = [0, 6144], sizes = [256, 128], strides = [1, 1]} : vector<256x8192xf32> to vector<256x128xf32>
    %lt3A_374 = arith.cmpf olt, %slice3A_373, %min3A_372 : vector<256x128xf32>
    %jit3A_375 = arith.constant 48 : i32
    %broadcast_in_dim3A_376 = vector.broadcast %jit3A_375 : i32 to vector<256x128xi32>
    %select_n3A_377 = arith.select %lt3A_374, %broadcast_in_dim3A_376, %select_n3A_371 : vector<256x128xi1>, vector<256x128xi32>
    %min3A_378 = arith.minimumf %min3A_372, %slice3A_373 : vector<256x128xf32>
    %slice3A_379 = vector.extract_strided_slice %sub3A {offsets = [0, 6272], sizes = [256, 128], strides = [1, 1]} : vector<256x8192xf32> to vector<256x128xf32>
    %lt3A_380 = arith.cmpf olt, %slice3A_379, %min3A_378 : vector<256x128xf32>
    %jit3A_381 = arith.constant 49 : i32
    %broadcast_in_dim3A_382 = vector.broadcast %jit3A_381 : i32 to vector<256x128xi32>
    %select_n3A_383 = arith.select %lt3A_380, %broadcast_in_dim3A_382, %select_n3A_377 : vector<256x128xi1>, vector<256x128xi32>
    %min3A_384 = arith.minimumf %min3A_378, %slice3A_379 : vector<256x128xf32>
    %slice3A_385 = vector.extract_strided_slice %sub3A {offsets = [0, 6400], sizes = [256, 128], strides = [1, 1]} : vector<256x8192xf32> to vector<256x128xf32>
    %lt3A_386 = arith.cmpf olt, %slice3A_385, %min3A_384 : vector<256x128xf32>
    %jit3A_387 = arith.constant 50 : i32
    %broadcast_in_dim3A_388 = vector.broadcast %jit3A_387 : i32 to vector<256x128xi32>
    %select_n3A_389 = arith.select %lt3A_386, %broadcast_in_dim3A_388, %select_n3A_383 : vector<256x128xi1>, vector<256x128xi32>
    %min3A_390 = arith.minimumf %min3A_384, %slice3A_385 : vector<256x128xf32>
    %slice3A_391 = vector.extract_strided_slice %sub3A {offsets = [0, 6528], sizes = [256, 128], strides = [1, 1]} : vector<256x8192xf32> to vector<256x128xf32>
    %lt3A_392 = arith.cmpf olt, %slice3A_391, %min3A_390 : vector<256x128xf32>
    %jit3A_393 = arith.constant 51 : i32
    %broadcast_in_dim3A_394 = vector.broadcast %jit3A_393 : i32 to vector<256x128xi32>
    %select_n3A_395 = arith.select %lt3A_392, %broadcast_in_dim3A_394, %select_n3A_389 : vector<256x128xi1>, vector<256x128xi32>
    %min3A_396 = arith.minimumf %min3A_390, %slice3A_391 : vector<256x128xf32>
    %slice3A_397 = vector.extract_strided_slice %sub3A {offsets = [0, 6656], sizes = [256, 128], strides = [1, 1]} : vector<256x8192xf32> to vector<256x128xf32>
    %lt3A_398 = arith.cmpf olt, %slice3A_397, %min3A_396 : vector<256x128xf32>
    %jit3A_399 = arith.constant 52 : i32
    %broadcast_in_dim3A_400 = vector.broadcast %jit3A_399 : i32 to vector<256x128xi32>
    %select_n3A_401 = arith.select %lt3A_398, %broadcast_in_dim3A_400, %select_n3A_395 : vector<256x128xi1>, vector<256x128xi32>
    %min3A_402 = arith.minimumf %min3A_396, %slice3A_397 : vector<256x128xf32>
    %slice3A_403 = vector.extract_strided_slice %sub3A {offsets = [0, 6784], sizes = [256, 128], strides = [1, 1]} : vector<256x8192xf32> to vector<256x128xf32>
    %lt3A_404 = arith.cmpf olt, %slice3A_403, %min3A_402 : vector<256x128xf32>
    %jit3A_405 = arith.constant 53 : i32
    %broadcast_in_dim3A_406 = vector.broadcast %jit3A_405 : i32 to vector<256x128xi32>
    %select_n3A_407 = arith.select %lt3A_404, %broadcast_in_dim3A_406, %select_n3A_401 : vector<256x128xi1>, vector<256x128xi32>
    %min3A_408 = arith.minimumf %min3A_402, %slice3A_403 : vector<256x128xf32>
    %slice3A_409 = vector.extract_strided_slice %sub3A {offsets = [0, 6912], sizes = [256, 128], strides = [1, 1]} : vector<256x8192xf32> to vector<256x128xf32>
    %lt3A_410 = arith.cmpf olt, %slice3A_409, %min3A_408 : vector<256x128xf32>
    %jit3A_411 = arith.constant 54 : i32
    %broadcast_in_dim3A_412 = vector.broadcast %jit3A_411 : i32 to vector<256x128xi32>
    %select_n3A_413 = arith.select %lt3A_410, %broadcast_in_dim3A_412, %select_n3A_407 : vector<256x128xi1>, vector<256x128xi32>
    %min3A_414 = arith.minimumf %min3A_408, %slice3A_409 : vector<256x128xf32>
    %slice3A_415 = vector.extract_strided_slice %sub3A {offsets = [0, 7040], sizes = [256, 128], strides = [1, 1]} : vector<256x8192xf32> to vector<256x128xf32>
    %lt3A_416 = arith.cmpf olt, %slice3A_415, %min3A_414 : vector<256x128xf32>
    %jit3A_417 = arith.constant 55 : i32
    %broadcast_in_dim3A_418 = vector.broadcast %jit3A_417 : i32 to vector<256x128xi32>
    %select_n3A_419 = arith.select %lt3A_416, %broadcast_in_dim3A_418, %select_n3A_413 : vector<256x128xi1>, vector<256x128xi32>
    %min3A_420 = arith.minimumf %min3A_414, %slice3A_415 : vector<256x128xf32>
    %slice3A_421 = vector.extract_strided_slice %sub3A {offsets = [0, 7168], sizes = [256, 128], strides = [1, 1]} : vector<256x8192xf32> to vector<256x128xf32>
    %lt3A_422 = arith.cmpf olt, %slice3A_421, %min3A_420 : vector<256x128xf32>
    %jit3A_423 = arith.constant 56 : i32
    %broadcast_in_dim3A_424 = vector.broadcast %jit3A_423 : i32 to vector<256x128xi32>
    %select_n3A_425 = arith.select %lt3A_422, %broadcast_in_dim3A_424, %select_n3A_419 : vector<256x128xi1>, vector<256x128xi32>
    %min3A_426 = arith.minimumf %min3A_420, %slice3A_421 : vector<256x128xf32>
    %slice3A_427 = vector.extract_strided_slice %sub3A {offsets = [0, 7296], sizes = [256, 128], strides = [1, 1]} : vector<256x8192xf32> to vector<256x128xf32>
    %lt3A_428 = arith.cmpf olt, %slice3A_427, %min3A_426 : vector<256x128xf32>
    %jit3A_429 = arith.constant 57 : i32
    %broadcast_in_dim3A_430 = vector.broadcast %jit3A_429 : i32 to vector<256x128xi32>
    %select_n3A_431 = arith.select %lt3A_428, %broadcast_in_dim3A_430, %select_n3A_425 : vector<256x128xi1>, vector<256x128xi32>
    %min3A_432 = arith.minimumf %min3A_426, %slice3A_427 : vector<256x128xf32>
    %slice3A_433 = vector.extract_strided_slice %sub3A {offsets = [0, 7424], sizes = [256, 128], strides = [1, 1]} : vector<256x8192xf32> to vector<256x128xf32>
    %lt3A_434 = arith.cmpf olt, %slice3A_433, %min3A_432 : vector<256x128xf32>
    %jit3A_435 = arith.constant 58 : i32
    %broadcast_in_dim3A_436 = vector.broadcast %jit3A_435 : i32 to vector<256x128xi32>
    %select_n3A_437 = arith.select %lt3A_434, %broadcast_in_dim3A_436, %select_n3A_431 : vector<256x128xi1>, vector<256x128xi32>
    %min3A_438 = arith.minimumf %min3A_432, %slice3A_433 : vector<256x128xf32>
    %slice3A_439 = vector.extract_strided_slice %sub3A {offsets = [0, 7552], sizes = [256, 128], strides = [1, 1]} : vector<256x8192xf32> to vector<256x128xf32>
    %lt3A_440 = arith.cmpf olt, %slice3A_439, %min3A_438 : vector<256x128xf32>
    %jit3A_441 = arith.constant 59 : i32
    %broadcast_in_dim3A_442 = vector.broadcast %jit3A_441 : i32 to vector<256x128xi32>
    %select_n3A_443 = arith.select %lt3A_440, %broadcast_in_dim3A_442, %select_n3A_437 : vector<256x128xi1>, vector<256x128xi32>
    %min3A_444 = arith.minimumf %min3A_438, %slice3A_439 : vector<256x128xf32>
    %slice3A_445 = vector.extract_strided_slice %sub3A {offsets = [0, 7680], sizes = [256, 128], strides = [1, 1]} : vector<256x8192xf32> to vector<256x128xf32>
    %lt3A_446 = arith.cmpf olt, %slice3A_445, %min3A_444 : vector<256x128xf32>
    %jit3A_447 = arith.constant 60 : i32
    %broadcast_in_dim3A_448 = vector.broadcast %jit3A_447 : i32 to vector<256x128xi32>
    %select_n3A_449 = arith.select %lt3A_446, %broadcast_in_dim3A_448, %select_n3A_443 : vector<256x128xi1>, vector<256x128xi32>
    %min3A_450 = arith.minimumf %min3A_444, %slice3A_445 : vector<256x128xf32>
    %slice3A_451 = vector.extract_strided_slice %sub3A {offsets = [0, 7808], sizes = [256, 128], strides = [1, 1]} : vector<256x8192xf32> to vector<256x128xf32>
    %lt3A_452 = arith.cmpf olt, %slice3A_451, %min3A_450 : vector<256x128xf32>
    %jit3A_453 = arith.constant 61 : i32
    %broadcast_in_dim3A_454 = vector.broadcast %jit3A_453 : i32 to vector<256x128xi32>
    %select_n3A_455 = arith.select %lt3A_452, %broadcast_in_dim3A_454, %select_n3A_449 : vector<256x128xi1>, vector<256x128xi32>
    %min3A_456 = arith.minimumf %min3A_450, %slice3A_451 : vector<256x128xf32>
    %slice3A_457 = vector.extract_strided_slice %sub3A {offsets = [0, 7936], sizes = [256, 128], strides = [1, 1]} : vector<256x8192xf32> to vector<256x128xf32>
    %lt3A_458 = arith.cmpf olt, %slice3A_457, %min3A_456 : vector<256x128xf32>
    %jit3A_459 = arith.constant 62 : i32
    %broadcast_in_dim3A_460 = vector.broadcast %jit3A_459 : i32 to vector<256x128xi32>
    %select_n3A_461 = arith.select %lt3A_458, %broadcast_in_dim3A_460, %select_n3A_455 : vector<256x128xi1>, vector<256x128xi32>
    %min3A_462 = arith.minimumf %min3A_456, %slice3A_457 : vector<256x128xf32>
    %slice3A_463 = vector.extract_strided_slice %sub3A {offsets = [0, 8064], sizes = [256, 128], strides = [1, 1]} : vector<256x8192xf32> to vector<256x128xf32>
    %lt3A_464 = arith.cmpf olt, %slice3A_463, %min3A_462 : vector<256x128xf32>
    %jit3A_465 = arith.constant 63 : i32
    %broadcast_in_dim3A_466 = vector.broadcast %jit3A_465 : i32 to vector<256x128xi32>
    %select_n3A_467 = arith.select %lt3A_464, %broadcast_in_dim3A_466, %select_n3A_461 : vector<256x128xi1>, vector<256x128xi32>
    %min3A_468 = arith.minimumf %min3A_462, %slice3A_463 : vector<256x128xf32>
    %iota3A_469 = tpu.iota {dimensions = array<i32: 1>} : vector<256x128xi32>
    %mul3A_470 = arith.constant 128 : i32
    %mul3A_471 = vector.broadcast %mul3A_470 : i32 to vector<256x128xi32>
    %mul3A_472 = arith.muli %select_n3A_467, %mul3A_471 : vector<256x128xi32>
    %add3A_473 = arith.addi %mul3A_472, %iota3A_469 : vector<256x128xi32>
    %reduce_min3A_474 = arith.constant dense<0x7F800000> : vector<256xf32>
    %reduce_min3A_475 = vector.multi_reduction <minimumf>, %min3A_468, %reduce_min3A_474 [1] : vector<256x128xf32> to vector<256xf32>
    %broadcast_in_dim3A_476 = vector.shape_cast %reduce_min3A_475 : vector<256xf32> to vector<256x1xf32>
    %eq3A_477 = vector.broadcast %broadcast_in_dim3A_476 : vector<256x1xf32> to vector<256x128xf32>
    %eq3A_478 = arith.cmpf oeq, %min3A_468, %eq3A_477 : vector<256x128xf32>
    %jit3A_479 = arith.constant 8192 : i32
    %broadcast_in_dim3A_480 = vector.broadcast %jit3A_479 : i32 to vector<256x128xi32>
    %select_n3A_481 = arith.select %eq3A_478, %add3A_473, %broadcast_in_dim3A_480 : vector<256x128xi1>, vector<256x128xi32>
    %reduce_min3A_482 = arith.constant dense<2147483647> : vector<256xi32>
    %reduce_min3A_483 = vector.multi_reduction <minsi>, %select_n3A_481, %reduce_min3A_482 [1] : vector<256x128xi32> to vector<256xi32>
    %broadcast_in_dim3A_484 = vector.shape_cast %reduce_min3A_483 : vector<256xi32> to vector<256x1xi32>
    %broadcast_in_dim3A_485 = arith.constant 0x7F800000 : f32
    %broadcast_in_dim3A_486 = vector.broadcast %broadcast_in_dim3A_485 : f32 to vector<256x1xf32>
    %broadcast_in_dim3A_487 = arith.constant 0 : i32
    %broadcast_in_dim3A_488 = vector.broadcast %broadcast_in_dim3A_487 : i32 to vector<256x1xi32>
    %broadcast_in_dim3A_489 = arith.constant 0.000000e+00 : f32
    %broadcast_in_dim3A_490 = vector.broadcast %broadcast_in_dim3A_489 : f32 to vector<256x1xf32>
    %lt3A_491 = arith.cmpf olt, %broadcast_in_dim3A_486, %broadcast_in_dim3A_154 : vector<256x1xf32>
    %eq3A_492 = arith.cmpf oeq, %broadcast_in_dim3A_486, %broadcast_in_dim3A_154 : vector<256x1xf32>
    %lt3A_493 = arith.cmpi slt, %broadcast_in_dim3A_488, %broadcast_in_dim3A_161 : vector<256x1xi32>
    %and3A_494 = arith.andi %eq3A_492, %lt3A_493 : vector<256x1xi1>
    %or3A = arith.ori %lt3A_491, %and3A_494 : vector<256x1xi1>
    %select_n3A_495 = arith.select %or3A, %broadcast_in_dim3A_488, %broadcast_in_dim3A_161 : vector<256x1xi1>, vector<256x1xi32>
    %select_n3A_496 = arith.select %or3A, %broadcast_in_dim3A_490, %broadcast_in_dim3A_154 : vector<256x1xi1>, vector<256x1xf32>
    %convert_element_type3A_497 = arith.truncf %broadcast_in_dim3A_154 : vector<256x1xf32> to vector<256x1xbf16>
    %convert_element_type3A_498 = arith.extf %convert_element_type3A_497 : vector<256x1xbf16> to vector<256x1xf32>
    %select_n3A_499 = arith.select %or3A, %broadcast_in_dim3A_486, %convert_element_type3A_498 : vector<256x1xi1>, vector<256x1xf32>
    %lt3A_500 = arith.cmpf olt, %select_n3A_499, %broadcast_in_dim3A_320 : vector<256x1xf32>
    %eq3A_501 = arith.cmpf oeq, %select_n3A_499, %broadcast_in_dim3A_320 : vector<256x1xf32>
    %lt3A_502 = arith.cmpi slt, %select_n3A_495, %broadcast_in_dim3A_328 : vector<256x1xi32>
    %and3A_503 = arith.andi %eq3A_501, %lt3A_502 : vector<256x1xi1>
    %or3A_504 = arith.ori %lt3A_500, %and3A_503 : vector<256x1xi1>
    %select_n3A_505 = arith.select %or3A_504, %select_n3A_495, %broadcast_in_dim3A_328 : vector<256x1xi1>, vector<256x1xi32>
    %select_n3A_506 = arith.select %or3A_504, %select_n3A_496, %broadcast_in_dim3A_320 : vector<256x1xi1>, vector<256x1xf32>
    %convert_element_type3A_507 = arith.truncf %broadcast_in_dim3A_320 : vector<256x1xf32> to vector<256x1xbf16>
    %convert_element_type3A_508 = arith.extf %convert_element_type3A_507 : vector<256x1xbf16> to vector<256x1xf32>
    %select_n3A_509 = arith.select %or3A_504, %select_n3A_499, %convert_element_type3A_508 : vector<256x1xi1>, vector<256x1xf32>
    %lt3A_510 = arith.cmpf olt, %select_n3A_509, %broadcast_in_dim3A_476 : vector<256x1xf32>
    %eq3A_511 = arith.cmpf oeq, %select_n3A_509, %broadcast_in_dim3A_476 : vector<256x1xf32>
    %lt3A_512 = arith.cmpi slt, %select_n3A_505, %broadcast_in_dim3A_484 : vector<256x1xi32>
    %and3A_513 = arith.andi %eq3A_511, %lt3A_512 : vector<256x1xi1>
    %or3A_514 = arith.ori %lt3A_510, %and3A_513 : vector<256x1xi1>
    %select_n3A_515 = arith.select %or3A_514, %select_n3A_505, %broadcast_in_dim3A_484 : vector<256x1xi1>, vector<256x1xi32>
    %select_n3A_516 = arith.select %or3A_514, %select_n3A_506, %broadcast_in_dim3A_476 : vector<256x1xi1>, vector<256x1xf32>
    %swap3A = arith.constant 0 : index
    %swap3A_517 = arith.constant 0 : index
    %swap3A_518 = vector.load %arg5[%swap3A, %swap3A_517] : memref<256x1xi32, #tpu.memory_space<vmem>>, vector<256x1xi32>
    tpu.vector_store %arg5[%swap3A, %swap3A_517], %select_n3A_515 {strides = array<i32>} : memref<256x1xi32, #tpu.memory_space<vmem>>, vector<256x1xi32>,
    %eq3A_519 = arith.constant 0 : i32
    %eq3A_520 = arith.cmpi eq, %arg0, %eq3A_519 : i32
    %convert_element_type3A_521 = arith.extui %eq3A_520 : i1 to i32
    %cond3A = arith.constant 0 : i32
    %cond3A_522 = arith.cmpi ne, %convert_element_type3A_521, %cond3A : i32
    scf.if %cond3A_522 {
      %broadcast_in_dim3A_535 = arith.constant 0.000000e+00 : f32
      %broadcast_in_dim3A_536 = vector.broadcast %broadcast_in_dim3A_535 : f32 to vector<1x1xf32>
      %swap3A_537 = arith.constant 0 : index
      %swap3A_538 = arith.constant 0 : index
      %swap3A_539 = vector.load %arg6[%swap3A_537, %swap3A_538] : memref<1x1xf32, #tpu.memory_space<vmem>>, vector<1x1xf32>
      tpu.vector_store %arg6[%swap3A_537, %swap3A_538], %broadcast_in_dim3A_536 {strides = array<i32>} : memref<1x1xf32, #tpu.memory_space<vmem>>, vector<1x1xf32>,
    } else {
    }
    %get3A_523 = arith.constant 0 : index
    %get3A_524 = arith.constant 0 : index
    %get3A_525 = vector.load %arg6[%get3A_523, %get3A_524] : memref<1x1xf32, #tpu.memory_space<vmem>>, vector<1x1xf32>
    %reduce_sum3A = vector.shape_cast %select_n3A_516 : vector<256x1xf32> to vector<1x256x1xf32>
    %reduce_sum3A_526 = arith.constant dense<0.000000e+00> : vector<1xf32>
    %reduce_sum3A_527 = vector.multi_reduction <add>, %reduce_sum3A, %reduce_sum3A_526 [1, 2] : vector<1x256x1xf32> to vector<1xf32>
    %reduce_sum3A_528 = vector.shape_cast %reduce_sum3A_527 : vector<1xf32> to vector<1x1x1xf32>
    %reduce_sum3A_529 = vector.extract %reduce_sum3A_528[0, 0, 0] : f32 from vector<1x1x1xf32>
    %broadcast_in_dim3A_530 = vector.broadcast %reduce_sum3A_529 : f32 to vector<1x1xf32>
    %add3A_531 = arith.addf %get3A_525, %broadcast_in_dim3A_530 : vector<1x1xf32>
    %swap3A_532 = arith.constant 0 : index
    %swap3A_533 = arith.constant 0 : index
    %swap3A_534 = vector.load %arg6[%swap3A_532, %swap3A_533] : memref<1x1xf32, #tpu.memory_space<vmem>>, vector<1x1xf32>
    tpu.vector_store %arg6[%swap3A_532, %swap3A_533], %add3A_531 {strides = array<i32>} : memref<1x1xf32, #tpu.memory_space<vmem>>, vector<1x1xf32>,
    return
  }
  func.func @transform_0(%arg0: i32) -> (i32, i32) {
    %c0_i32 = arith.constant 0 : i32
    %c0_i32_0 = arith.constant 0 : i32
    return %arg0, %c0_i32 : i32, i32
  }
  func.func @transform_1(%arg0: i32) -> (i32, i32) {
    %c0_i32 = arith.constant 0 : i32
    %c0_i32_0 = arith.constant 0 : i32
    %c0_i32_1 = arith.constant 0 : i32
    return %c0_i32, %c0_i32_0 : i32, i32
  }
  func.func @transform_2(%arg0: i32) -> (i32, i32) {
    %c0_i32 = arith.constant 0 : i32
    %c0_i32_0 = arith.constant 0 : i32
    return %arg0, %c0_i32 : i32, i32
  }
  func.func @transform_3(%arg0: i32) -> (i32, i32) {
    %c0_i32 = arith.constant 0 : i32
    %c0_i32_0 = arith.constant 0 : i32
    %c0_i32_1 = arith.constant 0 : i32
    return %c0_i32, %c0_i32_0 : i32, i32
  }
  func.func @transform_4(%arg0: i32) -> (i32, i32) {
    %c0_i32 = arith.constant 0 : i32
    %c0_i32_0 = arith.constant 0 : i32
    return %arg0, %c0_i32 : i32, i32
  }
  func.func @transform_5(%arg0: i32) -> (i32, i32) {
    %c0_i32 = arith.constant 0 : i32
    %c0_i32_0 = arith.constant 0 : i32
    %c0_i32_1 = arith.constant 0 : i32
    return %c0_i32, %c0_i32_0 : i32, i32
  }
}

module attributes {stable_mosaic.version = 14 : i64} {
  func.func @_assemble_body(%arg0: i32, %arg1: memref<1x256x1024xf32, #tpu.memory_space<vmem>>, %arg2: memref<1x1024x256xf32, #tpu.memory_space<vmem>>, %arg3: memref<2x8192xf32, #tpu.memory_space<vmem>>, %arg4: memref<1x256x1024xf32, #tpu.memory_space<vmem>>, %arg5: memref<1x1xf32, #tpu.memory_space<vmem>>) attributes {dimension_semantics = [#tpu.dimension_semantics<arbitrary>], iteration_bounds = array<i64: 16>, scalar_prefetch = 0 : i64, scratch_operands = 0 : i64, tpu.core_type = #tpu.core_type<tc>, window_params = [{transform_indices = @transform_0, window_bounds = array<i64: 1, 256, 1024>}, {transform_indices = @transform_1, window_bounds = array<i64: 1, 1024, 256>}, {pipeline_mode = #tpu.pipeline_mode<synchronous>, transform_indices = @transform_2, window_bounds = array<i64: 2, 8192>}, {transform_indices = @transform_3, window_bounds = array<i64: 1, 256, 1024>}, {pipeline_mode = #tpu.pipeline_mode<synchronous>, transform_indices = @transform_4, window_bounds = array<i64: 1, 1>}]} {
    %get3A = arith.constant 0 : index
    %get3A_0 = arith.constant 0 : index
    %get3A_1 = arith.constant 0 : index
    %get3A_2 = vector.load %arg1[%get3A, %get3A_0, %get3A_1] : memref<1x256x1024xf32, #tpu.memory_space<vmem>>, vector<1x256x1024xf32>
    %get3A_3 = vector.shape_cast %get3A_2 : vector<1x256x1024xf32> to vector<256x1024xf32>
    %get3A_4 = arith.constant 0 : index
    %get3A_5 = arith.constant 0 : index
    %get3A_6 = arith.constant 0 : index
    %get3A_7 = vector.load %arg2[%get3A_4, %get3A_5, %get3A_6] : memref<1x1024x256xf32, #tpu.memory_space<vmem>>, vector<1x1024x256xf32>
    %get3A_8 = vector.shape_cast %get3A_7 : vector<1x1024x256xf32> to vector<1024x256xf32>
    %transpose3A = tpu.transpose %get3A_8, [1, 0] : vector<1024x256xf32> -> vector<256x1024xf32>
    %sub3A = arith.subf %transpose3A, %get3A_3 : vector<256x1024xf32>
    %add3A = arith.addf %get3A_3, %sub3A : vector<256x1024xf32>
    %swap3A = arith.constant 0 : index
    %swap3A_9 = arith.constant 0 : index
    %swap3A_10 = arith.constant 0 : index
    %swap3A_11 = vector.load %arg4[%swap3A, %swap3A_9, %swap3A_10] : memref<1x256x1024xf32, #tpu.memory_space<vmem>>, vector<1x256x1024xf32>
    %swap3A_12 = vector.shape_cast %swap3A_11 : vector<1x256x1024xf32> to vector<256x1024xf32>
    %swap3A_13 = vector.shape_cast %add3A : vector<256x1024xf32> to vector<1x256x1024xf32>
    tpu.vector_store %arg4[%swap3A, %swap3A_9, %swap3A_10], %swap3A_13 {strides = array<i32>} : memref<1x256x1024xf32, #tpu.memory_space<vmem>>, vector<1x256x1024xf32>,
    %eq3A = arith.constant 0 : i32
    %eq3A_14 = arith.cmpi eq, %arg0, %eq3A : i32
    %convert_element_type3A = arith.extui %eq3A_14 : i1 to i32
    %cond3A = arith.constant 0 : i32
    %cond3A_15 = arith.cmpi ne, %convert_element_type3A, %cond3A : i32
    scf.if %cond3A_15 {
      %get3A_16 = arith.constant 0 : index
      %get3A_17 = arith.constant 0 : index
      %get3A_18 = vector.load %arg3[%get3A_16, %get3A_17] : memref<2x8192xf32, #tpu.memory_space<vmem>>, vector<1x8192xf32>
      %get3A_19 = arith.constant 1 : index
      %get3A_20 = arith.constant 0 : index
      %get3A_21 = vector.load %arg3[%get3A_19, %get3A_20] : memref<2x8192xf32, #tpu.memory_space<vmem>>, vector<1x8192xf32>
      %add3A_22 = arith.addf %get3A_18, %get3A_21 : vector<1x8192xf32>
      %mul3A = arith.constant 6.10351563E-5 : f32
      %mul3A_23 = vector.broadcast %mul3A : f32 to vector<1x8192xf32>
      %mul3A_24 = arith.mulf %add3A_22, %mul3A_23 : vector<1x8192xf32>
      %add3A_25 = arith.constant 1.000000e-10 : f32
      %add3A_26 = vector.broadcast %add3A_25 : f32 to vector<1x8192xf32>
      %add3A_27 = arith.addf %mul3A_24, %add3A_26 : vector<1x8192xf32>
      %log3A = math.log %add3A_27 : vector<1x8192xf32>
      %mul3A_28 = arith.mulf %mul3A_24, %log3A : vector<1x8192xf32>
      %reduce_sum3A = vector.shape_cast %mul3A_28 : vector<1x8192xf32> to vector<1x1x8192xf32>
      %reduce_sum3A_29 = arith.constant dense<0.000000e+00> : vector<1xf32>
      %reduce_sum3A_30 = vector.multi_reduction <add>, %reduce_sum3A, %reduce_sum3A_29 [1, 2] : vector<1x1x8192xf32> to vector<1xf32>
      %reduce_sum3A_31 = vector.shape_cast %reduce_sum3A_30 : vector<1xf32> to vector<1x1x1xf32>
      %reduce_sum3A_32 = vector.extract %reduce_sum3A_31[0, 0, 0] : f32 from vector<1x1x1xf32>
      %broadcast_in_dim3A = vector.broadcast %reduce_sum3A_32 : f32 to vector<1x1xf32>
      %swap3A_33 = arith.constant 0 : index
      %swap3A_34 = arith.constant 0 : index
      %swap3A_35 = vector.load %arg5[%swap3A_33, %swap3A_34] : memref<1x1xf32, #tpu.memory_space<vmem>>, vector<1x1xf32>
      tpu.vector_store %arg5[%swap3A_33, %swap3A_34], %broadcast_in_dim3A {strides = array<i32>} : memref<1x1xf32, #tpu.memory_space<vmem>>, vector<1x1xf32>,
    } else {
    }
    return
  }
  func.func @transform_0(%arg0: i32) -> (i32, i32, i32) {
    %c0_i32 = arith.constant 0 : i32
    %c0_i32_0 = arith.constant 0 : i32
    %c0_i32_1 = arith.constant 0 : i32
    return %arg0, %c0_i32, %c0_i32_0 : i32, i32, i32
  }
  func.func @transform_1(%arg0: i32) -> (i32, i32, i32) {
    %c0_i32 = arith.constant 0 : i32
    %c0_i32_0 = arith.constant 0 : i32
    %c0_i32_1 = arith.constant 0 : i32
    return %arg0, %c0_i32, %c0_i32_0 : i32, i32, i32
  }
  func.func @transform_2(%arg0: i32) -> (i32, i32) {
    %c0_i32 = arith.constant 0 : i32
    %c0_i32_0 = arith.constant 0 : i32
    %c0_i32_1 = arith.constant 0 : i32
    return %c0_i32, %c0_i32_0 : i32, i32
  }
  func.func @transform_3(%arg0: i32) -> (i32, i32, i32) {
    %c0_i32 = arith.constant 0 : i32
    %c0_i32_0 = arith.constant 0 : i32
    %c0_i32_1 = arith.constant 0 : i32
    return %arg0, %c0_i32, %c0_i32_0 : i32, i32, i32
  }
  func.func @transform_4(%arg0: i32) -> (i32, i32) {
    %c0_i32 = arith.constant 0 : i32
    %c0_i32_0 = arith.constant 0 : i32
    %c0_i32_1 = arith.constant 0 : i32
    return %c0_i32, %c0_i32_0 : i32, i32
  }
}

</mosaic_0001>

<sc_bundles>
// kernel: kernel.5.cloned.1.call-start
scs
__scs_entry_jumppad:
0x0: {  	(pc) =	sbr.rel $0x88, $3  }
0x1: {  	(tag) =	ssettag $0x0;
	lr =	simm.s32 $0x1  }
0x2: {  	[smem:$0x3F9F] =	sst lr;
	_ =	strace $0xD0000000  }
0x3: {  	_ = 	snop  }
0x4: {  	_ = 	snop  }
0x5: {  	_ = 	snop  }
0x6: {  	_ = 	snop  }
0x7: {  	_ = 	snop  }
__scs_overlays_trampoline_lowered:
0x8: {  	[smem:$0x3FAE] =	sst s0  }
0x9: {  	[smem:$0x3FAF] =	sst s1  }
0xa: {  	[smem:$0x3FB0] =	sst s2  }
0xb: {  	[smem:$0x3FB1] =	sst s3  }
0xc: {  	[smem:$0x3FB2] =	sst s4  }
0xd: {  	[smem:$0x3FB3] =	sst s5  }
0xe: {  	[smem:$0x3FB4] =	sst s6  }
0xf: {  	[smem:$0x3FB5] =	sst s7  }
0x10: {  	[smem:$0x3FB6] =	sst s8  }
0x11: {  	[smem:$0x3FB7] =	sst s9;
	s0 =	simm.s32 @!p0 $0x0  }
0x12: {  	s1 =	sld [smem:$0x3F9D];
	s0 =	simm.s32 @p0 $0x1  }
0x13: {  	[smem:$0x3FB8] =	sst s0;
	s0 =	simm.s32 @!p1 $0x0  }
0x14: {  	s2 =	sld [smem:$0x3F9C];
	s0 =	simm.s32 @p1 $0x1  }
0x15: {  	[smem:$0x3FB9] =	sst s0;
	s0 =	simm.s32 @!p2 $0x0  }
0x16: {  	s3 =	sld [smem:$0x3FDB];
	s0 =	simm.s32 @p2 $0x1  }
0x17: {  	s4 =	simm.s32 $0x1BF5;
	[smem:$0x3FBB] =	sst s0  }
0x18: {  	s0 =	sld [smem:$0x3F9E];
	_ =	swait.ge [sflag:s4], $0x0  }
0x19: {  	s7 =	sld [smem:$0x3F9F]  }
0x1a: {  	s8 =	sadd.s32 $0xFFFFE003, lr  }
0x1b: {  	s9 =	sadd.s32 $0xFFFFFEF7, lr;
	s5 =	simm.s32 $0xFFFFFFFF;
	p2 =	slt.u32 s8, $0xFFFFF086  }
0x1c: {  	p1 =	slt.u32 s9, $0xF7A;
	s5 =	simm.s32 @!p2 $0x0  }
0x1d: {  	s5 =	simm.s32 @p1 $0x1;
	p0 =	seq.s32 s7, s2  }
0x1e: {  	s7 =	smul.u32 @!p0 $0xF7A, s2;
	p2 =	seq.s32 @!p0 s5, $0x0  }
0x1f: {  	s9 =	smul.u32 $0xF7A, s1;
	s8 =	simm.s32 @!p0 $0x1BF5;
	p2 =	por !p2, p0  }
0x20: {  	[sflag:s8] =	ssyncset.s32 @!p0 $0xFFFFF086;
	s6 =	sadd.s32 @!p0 s3, s7;
	s7 =	simm.s32 @!p0 $0x108  }
0x21: {  	s3 =	sadd.s32 s3, s9;
	s6 =	sadd.s32 @!p0 $0x88, s6;
	s7 =	simm.s32 @p2 $0x1082  }
0x22: {  	[simem:s7], [sflag:s8] =	dma.local @!p0 [hbm:s6], $0xF7A  }
0x23: {  	s9 =	sor.u32 $0xD0000000, s2;
	s6 =	simm.s32 $0x108;
	_ =	swait.ge @!p0 [sflag:s8], $0x0  }
0x24: {  	s3 =	sadd.s32 $0x88, s3;
	s6 =	simm.s32 @!p1 $0x1082;
	[sflag:s4] =	ssyncset.s32 $0xFFFFF086  }
0x25: {  	[simem:s6], [sflag:s4] =	dma.local [hbm:s3], $0xF7A  }
0x26: {  	[smem:$0x3F9F] =	sst s1;
	(tag) =	ssettag s2;
	_ =	strace s9  }
0x27: {  	s1 =	sld [smem:$0x3FAF]  }
0x28: {  	s2 =	sld [smem:$0x3FB0]  }
0x29: {  	s4 =	sld [smem:$0x3FB2]  }
0x2a: {  	p0 =	seq.s32 s5, $0x0;
	s5 =	sld [smem:$0x3FB3]  }
0x2b: {  	s6 =	sld [smem:$0x3FB4]  }
0x2c: {  	s7 =	sld [smem:$0x3FB5]  }
0x2d: {  	s3 =	simm.s32 $0x108;
	s8 =	sld [smem:$0x3FB6]  }
0x2e: {  	s3 =	simm.s32 @!p0 $0x1082;
	s9 =	sld [smem:$0x3FB7]  }
0x2f: {  	lr =	sadd.s32 s0, s3;
	s0 =	sld [smem:$0x3FAE]  }
0x30: {  	s3 =	sld [smem:$0x3FB1]  }
0x31: {  	[smem:$0x3FBA] =	sst s10  }
0x32: {  	s10 =	sld [smem:$0x3FB8];
	_ =	sdelay $0x3  }
0x33: {  	p0 =	seq.s32 s10, $0x1;
	s10 =	sld [smem:$0x3FBA];
	_ =	sdelay $0x3  }
0x34: {  	[smem:$0x3FBA] =	sst s10  }
0x35: {  	s10 =	sld [smem:$0x3FB9];
	_ =	sdelay $0x3  }
0x36: {  	p1 =	seq.s32 s10, $0x1;
	s10 =	sld [smem:$0x3FBA];
	_ =	sdelay $0x3  }
0x37: {  	[smem:$0x3FBA] =	sst s10  }
0x38: {  	s10 =	sld [smem:$0x3FBB]  }
0x39: {  	_ = 	snop;
	(pc) =	sbr.ind lr, $3  }
0x3a: {  	_ = 	snop  }
0x3b: {  	_ = 	snop  }
0x3c: {  	p2 =	seq.s32 s10, $0x1;
	s10 =	sld [smem:$0x3FBA]  }
0x3d: {  	_ =	shalt  }
0x3e: {  	_ =	shalt  }
0x3f: {  	_ =	shalt  }
0x40: {  	_ =	shalt  }
0x41: {  	_ =	shalt  }
0x42: {  	_ =	shalt  }
0x43: {  	_ =	shalt  }
0x44: {  	_ =	shalt  }
0x45: {  	_ =	shalt  }
0x46: {  	_ =	shalt  }
0x47: {  	_ =	shalt  }
0x48: {  	_ =	shalt  }
0x49: {  	_ =	shalt  }
0x4a: {  	_ =	shalt  }
0x4b: {  	_ =	shalt  }
0x4c: {  	_ =	shalt  }
0x4d: {  	_ =	shalt  }
0x4e: {  	_ =	shalt  }
0x4f: {  	_ =	shalt  }
0x50: {  	_ =	shalt  }
0x51: {  	_ =	shalt  }
0x52: {  	_ =	shalt  }
0x53: {  	_ =	shalt  }
0x54: {  	_ =	shalt  }
0x55: {  	_ =	shalt  }
0x56: {  	_ =	shalt  }
0x57: {  	_ =	shalt  }
0x58: {  	_ =	shalt  }
0x59: {  	_ =	shalt  }
0x5a: {  	_ =	shalt  }
0x5b: {  	_ =	shalt  }
0x5c: {  	_ =	shalt  }
0x5d: {  	_ =	shalt  }
0x5e: {  	_ =	shalt  }
0x5f: {  	_ =	shalt  }
0x60: {  	_ =	shalt  }
0x61: {  	_ =	shalt  }
0x62: {  	_ =	shalt  }
0x63: {  	_ =	shalt  }
0x64: {  	_ =	shalt  }
0x65: {  	_ =	shalt  }
0x66: {  	_ =	shalt  }
0x67: {  	_ =	shalt  }
0x68: {  	_ =	shalt  }
0x69: {  	_ =	shalt  }
0x6a: {  	_ =	shalt  }
0x6b: {  	_ =	shalt  }
0x6c: {  	_ =	shalt  }
0x6d: {  	_ =	shalt  }
0x6e: {  	_ =	shalt  }
0x6f: {  	_ =	shalt  }
0x70: {  	_ =	shalt  }
0x71: {  	_ =	shalt  }
0x72: {  	_ =	shalt  }
0x73: {  	_ =	shalt  }
0x74: {  	_ =	shalt  }
0x75: {  	_ =	shalt  }
0x76: {  	_ =	shalt  }
0x77: {  	_ =	shalt  }
0x78: {  	_ =	shalt  }
0x79: {  	_ =	shalt  }
0x7a: {  	_ =	shalt  }
0x7b: {  	_ =	shalt  }
0x7c: {  	_ =	shalt  }
0x7d: {  	_ =	shalt  }
0x7e: {  	_ =	shalt  }
0x7f: {  	_ =	shalt  }
0x80: {  	_ =	shalt  }
0x81: {  	_ =	shalt  }
0x82: {  	_ =	shalt  }
0x83: {  	_ =	shalt  }
0x84: {  	_ =	shalt  }
0x85: {  	_ =	shalt  }
0x86: {  	_ =	shalt  }
0x87: {  	_ =	shalt  }
.Lfunc_end0:
.L_simem_size_0:
called_computation_lowered:
.L_overlay_start_0:
0x88: {  	s2 =	sld [smem:$0x3FD9]  }
0x89: {  	s3 =	sld [smem:$0x3FFE];
	_ =	sdelay $0x1  }
0x8a: {  	s1 =	srdreg.scid  }
0x8b: {  	s0 =	sand.u32 $0x1, s1  }
0x8c: {  	s17 =	sshll.u32 s0, $0xA;
	s2 =	sadd.s32 s3, s2  }
0x8d: {  	s2 =	sadd.s32 s2, s17  }
0x8e: {  	[smem:$0x3FC6] =	sst s2  }
0x8f: {  	_ = 	snop  }
0x90: {  	s2 =	sld [smem:$0x3FC8];
	(tm) =	ssettm $0x1  }
0x91: {  	s18 =	sld [smem:$0x3FFB];
	_ =	sdelay $0x3  }
0x92: {  	_ =	strace s18  }
0x93: {  	s3 =	sld [smem:$0x3FFC];
	_ =	sdelay $0x3  }
0x94: {  	_ =	strace s3  }
0x95: {  	s3 =	sld [smem:$0x3FFD];
	_ =	sdelay $0x3  }
0x96: {  	_ =	strace s3  }
0x97: {  	_ =	strace $0x8FFFFFFF  }
0x98: {  	s19 =	sld [smem:$0x3FDB];
	_ =	sdelay $0x1  }
0x99: {  	s4 =	simm.s32 $_scs_section_size  }
0x9a: {  	s5 =	simm.s32 $_size__tile_overlayer_lowered;
	s6 =	simm.s32 $_tile_overlayer_lowered  }
0x9b: {  	s22 =	simm.s32 $0x1BFF;
	s21 =	sshll.u32 s6, $0x1;
	s3 =	sadd.s32 s4, s19  }
0x9c: {  	s7 =	simm.s32 $0x0;
	s20 =	sshll.u32 s5, $0x1;
	s5 =	sadd.s32 s21, s3  }
0x9d: {  	[timem:s7], [sflag:s22] =	dma.local [hbm:s5], s20  }
0x9e: {  	_ =	swait.ge [sflag:s22], s20  }
0x9f: {  	s4 =	ssub.s32 $0x0, s20;
	[sflag:s22] =	ssyncset.done $0x0  }
0xa0: {  	[sflag:s22] =	ssyncadd.s32 s4;
	_ =	sdelay $0x1  }
0xa1: {  	s23 =	simm.s32 $0x1B8B  }
0xa2: {  	_ =	swait.ge [sflag:s23], $0x1  }
0xa3: {  	[sflag:s23] =	ssyncset.done $0x0  }
0xa4: {  	s25 =	simm.s32 $0x1B8E;
	s24 =	sld [smem:$0x3FFE];
	[sflag:s23] =	ssyncadd.s32 $0xFFFFFFFF  }
0xa5: {  	s26 =	simm.s32 $execute0_lowered;
	[smem:$0x3FD2] =	sst s25  }
0xa6: {  	s5 =	sshll.u32 s26, $0x1;
	_ =	strace $0x80000046;
	[dreg:$0x1] =	wrdreg $0xFFFFFFFF  }
0xa7: {  	s28 =	simm.s32 $_size_execute0_lowered;
	s3 =	sadd.s32 s3, s5;
	[dreg:$0x0] =	wrdreg $0x0  }
0xa8: {  	s5 =	sshll.u32 s28, $0x1;
	[dreg:$0x2] =	wrdreg s3  }
0xa9: {  	[dreg:$0x3] =	wrdreg s5  }
0xaa: {  	[dreg:$0x4] =	wrdreg $0xC0  }
0xab: {  	_ =	task [dreg:s7], $0x5FFFF  }
0xac: {  	[dreg:$0x1] =	wrdreg $0xFFFFFFFF  }
0xad: {  	[dreg:$0x0] =	wrdreg $0x60  }
0xae: {  	[dreg:$0x2] =	wrdreg s24  }
0xaf: {  	[dreg:$0x3] =	wrdreg s2  }
0xb0: {  	[dreg:$0x4] =	wrdreg $0xA4000  }
0xb1: {  	[dreg:$0x5] =	wrdreg $0x9  }
0xb2: {  	_ =	task.clear_ibuf [dreg:s7], $0x6FFFF;
	_ =	strace $0x90000046  }
0xb3: {  	s29 =	simm.s32 $0x9;
	_ =	strace $0x80000048  }
0xb4: {  	_ =	swait.ge [sflag:s29], $0x1  }
0xb5: {  	[sflag:s29] =	ssyncadd.s32 $0xFFFFFFFF  }
0xb6: {  	_ =	strace $0x90000048  }
0xb7: {  	_ =	sfence  }
0xb8: {  	s30 =	sld [smem:$0x0];
	_ =	sdelay $0x2  }
0xb9: {  	s31 =	sshll.u32 s1, $0xD;
	s1 =	sshrl.u32 s1, $0x2  }
0xba: {  	s3 =	sand.u32 $0x4000, s31;
	s1 =	sadd.s32 s1, s30  }
0xbb: {  	s0 =	sor.u32 s3, s0;
	s1 =	sshll.u32 s1, $0x11  }
0xbc: {  	s0 =	sor.u32 s1, s0  }
0xbd: {  	s0 =	sadd.s32 $0x8F2B, s0  }
0xbe: {  	[sflag:s0] =	ssyncadd.remote.s32 $0x1  }
0xbf: {  	_ =	sfence.sel $0xFFFF  }
0xc0: {  	[dreg:$0x0] =	wrdreg $0xFFFFFFFF;
	(pc) =	sbr.abs _section_cstart, $3  }
0xc1: {  	[dreg:$0x1] =	wrdreg $0xFFFFFFFF  }
0xc2: {  	_ =	task.clear_ibuf [dreg:s7], $0x2FFFF;
	_ =	strace $0x9FFFFFFF  }
0xc3: {  	(tm) =	ssettm $0x7FFFFFFF  }
tec
execute0_lowered:
.L_overlay_start_1:
0x0: {  	(tag) =	ssettag $0x1  }
0x1: {  	s0 =	rddreg [dreg:$0x0]  }
0x2: {  	s1 =	rddreg [dreg:$0x1]  }
0x3: {  	s30 =	rddreg [dreg:$0x2]  }
0x4: {  	s3 =	srdreg.scid;
	s9 =	stileid.u32;
	s11 =	simm.s32 $0x2  }
0x5: {  	s12 =	simm.s32 $0x200;
	s14 =	simm.s32 $0x1200;
	s15 =	simm.s32 $0x1A00  }
0x6: {  	s16 =	simm.s32 $0x2200;
	s17 =	simm.s32 $0x2A00;
	s18 =	simm.s32 $0x3200  }
0x7: {  	s19 =	simm.s32 $0x3A00;
	s20 =	simm.s32 $0x4200;
	s21 =	simm.s32 $0x4A00  }
0x8: {  	s22 =	simm.s32 $0x5200;
	s23 =	simm.s32 $0x5A00;
	s24 =	simm.s32 $0x6200  }
0x9: {  	s25 =	simm.s32 $0x6A00;
	s26 =	simm.s32 $0x7200;
	s28 =	simm.s32 $0x7A00  }
0xa: {  	s29 =	simm.s32 $0x1;
	s4 =	sand.u32 $0x1, s3;
	s3 =	simm.s32 $0x0  }
0xb: {  	s5 =	sshll.u32 s9, $0xA;
	p0 =	sne.s32 s9, $0x0;
	s9 =	simm.s32 $0xA00  }
0xc: {  	s6 =	sshll.u32 s4, $0x9;
	[smem:$0x7FF] =	sst s3;
	s7 =	ssub.s32 $0x2, s4  }
0xd: {  	s4 =	sshll.u32 s4, $0x4;
	s5 =	sor.u32 s6, s5;
	_ =	strace $0x80000047  }
0xe: {  	s31 =	sshrl.u32 s7, $0x1;
	s6 =	sshrl.u32 s5, $0x3;
	s5 =	sshll.u32 s5, $0x5  }
.Ltmp0:
0xf: {  	s10 =	ssub.s32 s7, s31;
	s6 =	sadd.s32 s6, s0;
	(pc) =	sbr.rel .LBB2_1-.Ltmp0, $4  }
0x10: {  	s8 =	sadd.s32 s5, s0;
	s0 =	sadd.s32 s4, s0;
	s13 =	smax.u32 s10, $0x1  }
0x11: {  	v2 =	vlaneseq.u32;
	vm0 =	vmmov $0xffff;
	s10 =	simm.s32 $0x8200;
	s2 =	sadd.s32 $0x1000, s6;
	s4 =	sadd.s32 $0x2000, s8  }
0x12: {  	v3 =	vimm.f32 $1.000000000e+00;
	v4 =	vimm.f32 $0.0e+00;
	v1 =	vshrl.u32 v2, $0x3;
	s5 =	sadd.s32 $0x3000, s8;
	s6 =	sadd.s32 $0x4000, s8;
	s0 =	sadd.s32 $0x1800, s0  }
0x13: {  	v0 =	vand.u32 $0x7, v2;
	v2 =	vor.u32 $0x8, v2;
	v1 =	vmul.u32 $0x8, v1;
	s7 =	sadd.s32 $0x5000, s8;
	[dreg:$0x4] =	wrdreg s0;
	s0 =	simm.s32 $0x0  }
.LBB2_5:
0x14: {  	[bflag:$0x0] =	sbarrier.arrive $0xFFFF  }
0x15: {  	[spmem:s30] =	stream.indirect.scatter.add.f32 [tilespmem:s10], [sflag:$0x2], $0x1, s3, s12, $0xb8;
	[tilespmem:$0xA600] =	vst v63  }
0x16: {  	_ =	swait.ge [sflag:s11], $0x200  }
0x17: {  	[sflag:s11] =	ssyncset.done $0x0  }
0x18: {  	[sflag:s11] =	ssyncadd.s32 $0xFFFFFE00  }
0x19: {  	[bflag:$0x0] =	sbarrier.arrive $0xFFFF  }
.LBB2_6:
0x1a: {  	s0 =	sadd.s32 $0x1, s0  }
0x1b: {  	p1 =	sne.s32 s0, s13  }
.Ltmp1:
0x1c: {  	_ = 	snop;
	(pc) =	sbr.rel @!p1 .LBB2_7-.Ltmp1, $1  }
0x1d: {  	_ =	sdelay $0x3  }
.LBB2_1:
0x1e: {  	[tilespmem:s3], [sflag:$0x2] =	stream.linear.gather [hbm4b:s2+s3], $0x200, $0x38;
	[tilespmem:$0xA600] =	vst v63  }
0x1f: {  	_ =	swait.ge [sflag:s11], $0x200  }
0x20: {  	[sflag:s11] =	ssyncset.done $0x0  }
0x21: {  	[sflag:s11] =	ssyncadd.s32 $0xFFFFFE00  }
0x22: {  	v5 =	vld [tilespmem:$0x0];
	_ =	sdelay $0x4  }
0x23: {  	v6 =	vshll.u32 v5, $0x1  }
0x24: {  	v5 =	vand.u32 $0x7, v5;
	v6 =	vand.u32 $0xFFFFFFF0, v6  }
0x25: {  	v5 =	vor.u32 v5, v6  }
0x26: {  	v6 =	vperm.xlane v5, v0;
	_ =	sdelay $0x1  }
0x27: {  	v5 =	vperm.xlane v5, v2;
	v6 =	vadd.s32 v1, v6;
	_ =	sdelay $0x1  }
0x28: {  	v5 =	vadd.s32 v1, v5;
	_ =	sdelay $0x2  }
0x29: {  	[tilespmem:s12], [sflag:$0x1] =	stream.indirect_vreg.gather [hbm4b:s1+s3], $0x80, v6, vm0, $0xb8;
	[tilespmem:$0xA600] =	vst v63  }
0x2a: {  	_ = 	snop  }
0x2b: {  	[tilespmem:s9], [sflag:$0x1] =	stream.indirect_vreg.gather [hbm4b:s1+s3], $0x80, v5, vm0, $0xb8;
	[tilespmem:$0xA600] =	vst v63  }
0x2c: {  	v5 =	vld [tilespmem:$0x10];
	_ =	sdelay $0x4  }
0x2d: {  	v6 =	vshll.u32 v5, $0x1  }
0x2e: {  	v5 =	vand.u32 $0x7, v5;
	v6 =	vand.u32 $0xFFFFFFF0, v6  }
0x2f: {  	v5 =	vor.u32 v5, v6  }
0x30: {  	v6 =	vperm.xlane v5, v0;
	_ =	sdelay $0x1  }
0x31: {  	v5 =	vperm.xlane v5, v2;
	v6 =	vadd.s32 v1, v6;
	_ =	sdelay $0x1  }
0x32: {  	v5 =	vadd.s32 v1, v5;
	_ =	sdelay $0x2  }
0x33: {  	[tilespmem:s14], [sflag:$0x1] =	stream.indirect_vreg.gather [hbm4b:s1+s3], $0x80, v6, vm0, $0xb8;
	[tilespmem:$0xA600] =	vst v63  }
0x34: {  	_ = 	snop  }
0x35: {  	[tilespmem:s15], [sflag:$0x1] =	stream.indirect_vreg.gather [hbm4b:s1+s3], $0x80, v5, vm0, $0xb8;
	[tilespmem:$0xA600] =	vst v63  }
0x36: {  	v5 =	vld [tilespmem:$0x20];
	_ =	sdelay $0x4  }
0x37: {  	v6 =	vshll.u32 v5, $0x1  }
0x38: {  	v5 =	vand.u32 $0x7, v5;
	v6 =	vand.u32 $0xFFFFFFF0, v6  }
0x39: {  	v5 =	vor.u32 v5, v6  }
0x3a: {  	v6 =	vperm.xlane v5, v0;
	_ =	sdelay $0x1  }
0x3b: {  	v5 =	vperm.xlane v5, v2;
	v6 =	vadd.s32 v1, v6;
	_ =	sdelay $0x1  }
0x3c: {  	v5 =	vadd.s32 v1, v5;
	_ =	sdelay $0x2  }
0x3d: {  	[tilespmem:s16], [sflag:$0x1] =	stream.indirect_vreg.gather [hbm4b:s1+s3], $0x80, v6, vm0, $0xb8;
	[tilespmem:$0xA600] =	vst v63  }
0x3e: {  	_ = 	snop  }
0x3f: {  	[tilespmem:s17], [sflag:$0x1] =	stream.indirect_vreg.gather [hbm4b:s1+s3], $0x80, v5, vm0, $0xb8;
	[tilespmem:$0xA600] =	vst v63  }
0x40: {  	v5 =	vld [tilespmem:$0x30];
	_ =	sdelay $0x4  }
0x41: {  	v6 =	vshll.u32 v5, $0x1  }
0x42: {  	v5 =	vand.u32 $0x7, v5;
	v6 =	vand.u32 $0xFFFFFFF0, v6  }
0x43: {  	v5 =	vor.u32 v5, v6  }
0x44: {  	v6 =	vperm.xlane v5, v0;
	_ =	sdelay $0x1  }
0x45: {  	v5 =	vperm.xlane v5, v2;
	v6 =	vadd.s32 v1, v6;
	_ =	sdelay $0x1  }
0x46: {  	v5 =	vadd.s32 v1, v5;
	_ =	sdelay $0x2  }
0x47: {  	[tilespmem:s18], [sflag:$0x1] =	stream.indirect_vreg.gather [hbm4b:s1+s3], $0x80, v6, vm0, $0xb8;
	[tilespmem:$0xA600] =	vst v63  }
0x48: {  	_ = 	snop  }
0x49: {  	[tilespmem:s19], [sflag:$0x1] =	stream.indirect_vreg.gather [hbm4b:s1+s3], $0x80, v5, vm0, $0xb8;
	[tilespmem:$0xA600] =	vst v63  }
0x4a: {  	v5 =	vld [tilespmem:$0x40];
	_ =	sdelay $0x4  }
0x4b: {  	v6 =	vshll.u32 v5, $0x1  }
0x4c: {  	v5 =	vand.u32 $0x7, v5;
	v6 =	vand.u32 $0xFFFFFFF0, v6  }
0x4d: {  	v5 =	vor.u32 v5, v6  }
0x4e: {  	v6 =	vperm.xlane v5, v0;
	_ =	sdelay $0x1  }
0x4f: {  	v5 =	vperm.xlane v5, v2;
	v6 =	vadd.s32 v1, v6;
	_ =	sdelay $0x1  }
0x50: {  	v5 =	vadd.s32 v1, v5;
	_ =	sdelay $0x2  }
0x51: {  	[tilespmem:s20], [sflag:$0x1] =	stream.indirect_vreg.gather [hbm4b:s1+s3], $0x80, v6, vm0, $0xb8;
	[tilespmem:$0xA600] =	vst v63  }
0x52: {  	_ = 	snop  }
0x53: {  	[tilespmem:s21], [sflag:$0x1] =	stream.indirect_vreg.gather [hbm4b:s1+s3], $0x80, v5, vm0, $0xb8;
	[tilespmem:$0xA600] =	vst v63  }
0x54: {  	v5 =	vld [tilespmem:$0x50];
	_ =	sdelay $0x4  }
0x55: {  	v6 =	vshll.u32 v5, $0x1  }
0x56: {  	v5 =	vand.u32 $0x7, v5;
	v6 =	vand.u32 $0xFFFFFFF0, v6  }
0x57: {  	v5 =	vor.u32 v5, v6  }
0x58: {  	v6 =	vperm.xlane v5, v0;
	_ =	sdelay $0x1  }
0x59: {  	v5 =	vperm.xlane v5, v2;
	v6 =	vadd.s32 v1, v6;
	_ =	sdelay $0x1  }
0x5a: {  	v5 =	vadd.s32 v1, v5;
	_ =	sdelay $0x2  }
0x5b: {  	[tilespmem:s22], [sflag:$0x1] =	stream.indirect_vreg.gather [hbm4b:s1+s3], $0x80, v6, vm0, $0xb8;
	[tilespmem:$0xA600] =	vst v63  }
0x5c: {  	_ = 	snop  }
0x5d: {  	[tilespmem:s23], [sflag:$0x1] =	stream.indirect_vreg.gather [hbm4b:s1+s3], $0x80, v5, vm0, $0xb8;
	[tilespmem:$0xA600] =	vst v63  }
0x5e: {  	v5 =	vld [tilespmem:$0x60];
	_ =	sdelay $0x4  }
0x5f: {  	v6 =	vshll.u32 v5, $0x1  }
0x60: {  	v5 =	vand.u32 $0x7, v5;
	v6 =	vand.u32 $0xFFFFFFF0, v6  }
0x61: {  	v5 =	vor.u32 v5, v6  }
0x62: {  	v6 =	vperm.xlane v5, v0;
	_ =	sdelay $0x1  }
0x63: {  	v5 =	vperm.xlane v5, v2;
	v6 =	vadd.s32 v1, v6;
	_ =	sdelay $0x1  }
0x64: {  	v5 =	vadd.s32 v1, v5;
	_ =	sdelay $0x2  }
0x65: {  	[tilespmem:s24], [sflag:$0x1] =	stream.indirect_vreg.gather [hbm4b:s1+s3], $0x80, v6, vm0, $0xb8;
	[tilespmem:$0xA600] =	vst v63  }
0x66: {  	_ = 	snop  }
0x67: {  	[tilespmem:s25], [sflag:$0x1] =	stream.indirect_vreg.gather [hbm4b:s1+s3], $0x80, v5, vm0, $0xb8;
	[tilespmem:$0xA600] =	vst v63  }
0x68: {  	v5 =	vld [tilespmem:$0x70];
	_ =	sdelay $0x4  }
0x69: {  	v6 =	vshll.u32 v5, $0x1  }
0x6a: {  	v5 =	vand.u32 $0x7, v5;
	v6 =	vand.u32 $0xFFFFFFF0, v6  }
0x6b: {  	v5 =	vor.u32 v5, v6  }
0x6c: {  	v6 =	vperm.xlane v5, v0;
	_ =	sdelay $0x1  }
0x6d: {  	v5 =	vperm.xlane v5, v2;
	v6 =	vadd.s32 v1, v6;
	_ =	sdelay $0x1  }
0x6e: {  	v5 =	vadd.s32 v1, v5;
	_ =	sdelay $0x2  }
0x6f: {  	[tilespmem:s26], [sflag:$0x1] =	stream.indirect_vreg.gather [hbm4b:s1+s3], $0x80, v6, vm0, $0xb8;
	[tilespmem:$0xA600] =	vst v63  }
0x70: {  	_ = 	snop  }
0x71: {  	[tilespmem:s28], [sflag:$0x1] =	stream.indirect_vreg.gather [hbm4b:s1+s3], $0x80, v5, vm0, $0xb8;
	[tilespmem:$0xA600] =	vst v63  }
0x72: {  	_ =	swait.ge [sflag:s29], $0x8000  }
0x73: {  	[sflag:s29] =	ssyncset.done $0x0  }
0x74: {  	[sflag:s29] =	ssyncadd.s32 $0xFFFF8000  }
0x75: {  	[hbm4b:s4+s3] =	stream.linear.scatter [tilespmem:s12], [sflag:$0x2], $0x8000, $0x38;
	[tilespmem:$0xA600] =	vst v63  }
0x76: {  	_ =	swait.ge [sflag:s11], $0x8000  }
0x77: {  	[sflag:s11] =	ssyncset.done $0x0  }
0x78: {  	[sflag:s11] =	ssyncadd.s32 $0xFFFF8000  }
0x79: {  	v5 =	vld [tilespmem:$0x80];
	_ =	sdelay $0x4  }
0x7a: {  	v6 =	vshll.u32 v5, $0x1  }
0x7b: {  	v5 =	vand.u32 $0x7, v5;
	v6 =	vand.u32 $0xFFFFFFF0, v6  }
0x7c: {  	v5 =	vor.u32 v5, v6  }
0x7d: {  	v6 =	vperm.xlane v5, v0;
	_ =	sdelay $0x1  }
0x7e: {  	v5 =	vperm.xlane v5, v2;
	v6 =	vadd.s32 v1, v6;
	_ =	sdelay $0x1  }
0x7f: {  	v5 =	vadd.s32 v1, v5;
	_ =	sdelay $0x2  }
0x80: {  	[tilespmem:s12], [sflag:$0x1] =	stream.indirect_vreg.gather [hbm4b:s1+s3], $0x80, v6, vm0, $0xb8;
	[tilespmem:$0xA600] =	vst v63  }
0x81: {  	_ = 	snop  }
0x82: {  	[tilespmem:s9], [sflag:$0x1] =	stream.indirect_vreg.gather [hbm4b:s1+s3], $0x80, v5, vm0, $0xb8;
	[tilespmem:$0xA600] =	vst v63  }
0x83: {  	v5 =	vld [tilespmem:$0x90];
	_ =	sdelay $0x4  }
0x84: {  	v6 =	vshll.u32 v5, $0x1  }
0x85: {  	v5 =	vand.u32 $0x7, v5;
	v6 =	vand.u32 $0xFFFFFFF0, v6  }
0x86: {  	v5 =	vor.u32 v5, v6  }
0x87: {  	v6 =	vperm.xlane v5, v0;
	_ =	sdelay $0x1  }
0x88: {  	v5 =	vperm.xlane v5, v2;
	v6 =	vadd.s32 v1, v6;
	_ =	sdelay $0x1  }
0x89: {  	v5 =	vadd.s32 v1, v5;
	_ =	sdelay $0x2  }
0x8a: {  	[tilespmem:s14], [sflag:$0x1] =	stream.indirect_vreg.gather [hbm4b:s1+s3], $0x80, v6, vm0, $0xb8;
	[tilespmem:$0xA600] =	vst v63  }
0x8b: {  	_ = 	snop  }
0x8c: {  	[tilespmem:s15], [sflag:$0x1] =	stream.indirect_vreg.gather [hbm4b:s1+s3], $0x80, v5, vm0, $0xb8;
	[tilespmem:$0xA600] =	vst v63  }
0x8d: {  	v5 =	vld [tilespmem:$0xA0];
	_ =	sdelay $0x4  }
0x8e: {  	v6 =	vshll.u32 v5, $0x1  }
0x8f: {  	v5 =	vand.u32 $0x7, v5;
	v6 =	vand.u32 $0xFFFFFFF0, v6  }
0x90: {  	v5 =	vor.u32 v5, v6  }
0x91: {  	v6 =	vperm.xlane v5, v0;
	_ =	sdelay $0x1  }
0x92: {  	v5 =	vperm.xlane v5, v2;
	v6 =	vadd.s32 v1, v6;
	_ =	sdelay $0x1  }
0x93: {  	v5 =	vadd.s32 v1, v5;
	_ =	sdelay $0x2  }
0x94: {  	[tilespmem:s16], [sflag:$0x1] =	stream.indirect_vreg.gather [hbm4b:s1+s3], $0x80, v6, vm0, $0xb8;
	[tilespmem:$0xA600] =	vst v63  }
0x95: {  	_ = 	snop  }
0x96: {  	[tilespmem:s17], [sflag:$0x1] =	stream.indirect_vreg.gather [hbm4b:s1+s3], $0x80, v5, vm0, $0xb8;
	[tilespmem:$0xA600] =	vst v63  }
0x97: {  	v5 =	vld [tilespmem:$0xB0];
	_ =	sdelay $0x4  }
0x98: {  	v6 =	vshll.u32 v5, $0x1  }
0x99: {  	v5 =	vand.u32 $0x7, v5;
	v6 =	vand.u32 $0xFFFFFFF0, v6  }
0x9a: {  	v5 =	vor.u32 v5, v6  }
0x9b: {  	v6 =	vperm.xlane v5, v0;
	_ =	sdelay $0x1  }
0x9c: {  	v5 =	vperm.xlane v5, v2;
	v6 =	vadd.s32 v1, v6;
	_ =	sdelay $0x1  }
0x9d: {  	v5 =	vadd.s32 v1, v5;
	_ =	sdelay $0x2  }
0x9e: {  	[tilespmem:s18], [sflag:$0x1] =	stream.indirect_vreg.gather [hbm4b:s1+s3], $0x80, v6, vm0, $0xb8;
	[tilespmem:$0xA600] =	vst v63  }
0x9f: {  	_ = 	snop  }
0xa0: {  	[tilespmem:s19], [sflag:$0x1] =	stream.indirect_vreg.gather [hbm4b:s1+s3], $0x80, v5, vm0, $0xb8;
	[tilespmem:$0xA600] =	vst v63  }
0xa1: {  	v5 =	vld [tilespmem:$0xC0];
	_ =	sdelay $0x4  }
0xa2: {  	v6 =	vshll.u32 v5, $0x1  }
0xa3: {  	v5 =	vand.u32 $0x7, v5;
	v6 =	vand.u32 $0xFFFFFFF0, v6  }
0xa4: {  	v5 =	vor.u32 v5, v6  }
0xa5: {  	v6 =	vperm.xlane v5, v0;
	_ =	sdelay $0x1  }
0xa6: {  	v5 =	vperm.xlane v5, v2;
	v6 =	vadd.s32 v1, v6;
	_ =	sdelay $0x1  }
0xa7: {  	v5 =	vadd.s32 v1, v5;
	_ =	sdelay $0x2  }
0xa8: {  	[tilespmem:s20], [sflag:$0x1] =	stream.indirect_vreg.gather [hbm4b:s1+s3], $0x80, v6, vm0, $0xb8;
	[tilespmem:$0xA600] =	vst v63  }
0xa9: {  	_ = 	snop  }
0xaa: {  	[tilespmem:s21], [sflag:$0x1] =	stream.indirect_vreg.gather [hbm4b:s1+s3], $0x80, v5, vm0, $0xb8;
	[tilespmem:$0xA600] =	vst v63  }
0xab: {  	v5 =	vld [tilespmem:$0xD0];
	_ =	sdelay $0x4  }
0xac: {  	v6 =	vshll.u32 v5, $0x1  }
0xad: {  	v5 =	vand.u32 $0x7, v5;
	v6 =	vand.u32 $0xFFFFFFF0, v6  }
0xae: {  	v5 =	vor.u32 v5, v6  }
0xaf: {  	v6 =	vperm.xlane v5, v0;
	_ =	sdelay $0x1  }
0xb0: {  	v5 =	vperm.xlane v5, v2;
	v6 =	vadd.s32 v1, v6;
	_ =	sdelay $0x1  }
0xb1: {  	v5 =	vadd.s32 v1, v5;
	_ =	sdelay $0x2  }
0xb2: {  	[tilespmem:s22], [sflag:$0x1] =	stream.indirect_vreg.gather [hbm4b:s1+s3], $0x80, v6, vm0, $0xb8;
	[tilespmem:$0xA600] =	vst v63  }
0xb3: {  	_ = 	snop  }
0xb4: {  	[tilespmem:s23], [sflag:$0x1] =	stream.indirect_vreg.gather [hbm4b:s1+s3], $0x80, v5, vm0, $0xb8;
	[tilespmem:$0xA600] =	vst v63  }
0xb5: {  	v5 =	vld [tilespmem:$0xE0];
	_ =	sdelay $0x4  }
0xb6: {  	v6 =	vshll.u32 v5, $0x1  }
0xb7: {  	v5 =	vand.u32 $0x7, v5;
	v6 =	vand.u32 $0xFFFFFFF0, v6  }
0xb8: {  	v5 =	vor.u32 v5, v6  }
0xb9: {  	v6 =	vperm.xlane v5, v0;
	_ =	sdelay $0x1  }
0xba: {  	v5 =	vperm.xlane v5, v2;
	v6 =	vadd.s32 v1, v6;
	_ =	sdelay $0x1  }
0xbb: {  	v5 =	vadd.s32 v1, v5;
	_ =	sdelay $0x2  }
0xbc: {  	[tilespmem:s24], [sflag:$0x1] =	stream.indirect_vreg.gather [hbm4b:s1+s3], $0x80, v6, vm0, $0xb8;
	[tilespmem:$0xA600] =	vst v63  }
0xbd: {  	_ = 	snop  }
0xbe: {  	[tilespmem:s25], [sflag:$0x1] =	stream.indirect_vreg.gather [hbm4b:s1+s3], $0x80, v5, vm0, $0xb8;
	[tilespmem:$0xA600] =	vst v63  }
0xbf: {  	v5 =	vld [tilespmem:$0xF0];
	_ =	sdelay $0x4  }
0xc0: {  	v6 =	vshll.u32 v5, $0x1  }
0xc1: {  	v5 =	vand.u32 $0x7, v5;
	v6 =	vand.u32 $0xFFFFFFF0, v6  }
0xc2: {  	v5 =	vor.u32 v5, v6  }
0xc3: {  	v6 =	vperm.xlane v5, v0;
	_ =	sdelay $0x1  }
0xc4: {  	v5 =	vperm.xlane v5, v2;
	v6 =	vadd.s32 v1, v6;
	_ =	sdelay $0x1  }
0xc5: {  	v5 =	vadd.s32 v1, v5;
	_ =	sdelay $0x2  }
0xc6: {  	[tilespmem:s26], [sflag:$0x1] =	stream.indirect_vreg.gather [hbm4b:s1+s3], $0x80, v6, vm0, $0xb8;
	[tilespmem:$0xA600] =	vst v63  }
0xc7: {  	_ = 	snop  }
0xc8: {  	[tilespmem:s28], [sflag:$0x1] =	stream.indirect_vreg.gather [hbm4b:s1+s3], $0x80, v5, vm0, $0xb8;
	[tilespmem:$0xA600] =	vst v63  }
0xc9: {  	_ =	swait.ge [sflag:s29], $0x8000  }
0xca: {  	[sflag:s29] =	ssyncset.done $0x0  }
0xcb: {  	[sflag:s29] =	ssyncadd.s32 $0xFFFF8000  }
0xcc: {  	[hbm4b:s5+s3] =	stream.linear.scatter [tilespmem:s12], [sflag:$0x2], $0x8000, $0x38;
	[tilespmem:$0xA600] =	vst v63  }
0xcd: {  	_ =	swait.ge [sflag:s11], $0x8000  }
0xce: {  	[sflag:s11] =	ssyncset.done $0x0  }
0xcf: {  	[sflag:s11] =	ssyncadd.s32 $0xFFFF8000  }
0xd0: {  	v5 =	vld [tilespmem:$0x100];
	_ =	sdelay $0x4  }
0xd1: {  	v6 =	vshll.u32 v5, $0x1  }
0xd2: {  	v5 =	vand.u32 $0x7, v5;
	v6 =	vand.u32 $0xFFFFFFF0, v6  }
0xd3: {  	v5 =	vor.u32 v5, v6  }
0xd4: {  	v6 =	vperm.xlane v5, v0;
	_ =	sdelay $0x1  }
0xd5: {  	v5 =	vperm.xlane v5, v2;
	v6 =	vadd.s32 v1, v6;
	_ =	sdelay $0x1  }
0xd6: {  	v5 =	vadd.s32 v1, v5;
	_ =	sdelay $0x2  }
0xd7: {  	[tilespmem:s12], [sflag:$0x1] =	stream.indirect_vreg.gather [hbm4b:s1+s3], $0x80, v6, vm0, $0xb8;
	[tilespmem:$0xA600] =	vst v63  }
0xd8: {  	_ = 	snop  }
0xd9: {  	[tilespmem:s9], [sflag:$0x1] =	stream.indirect_vreg.gather [hbm4b:s1+s3], $0x80, v5, vm0, $0xb8;
	[tilespmem:$0xA600] =	vst v63  }
0xda: {  	v5 =	vld [tilespmem:$0x110];
	_ =	sdelay $0x4  }
0xdb: {  	v6 =	vshll.u32 v5, $0x1  }
0xdc: {  	v5 =	vand.u32 $0x7, v5;
	v6 =	vand.u32 $0xFFFFFFF0, v6  }
0xdd: {  	v5 =	vor.u32 v5, v6  }
0xde: {  	v6 =	vperm.xlane v5, v0;
	_ =	sdelay $0x1  }
0xdf: {  	v5 =	vperm.xlane v5, v2;
	v6 =	vadd.s32 v1, v6;
	_ =	sdelay $0x1  }
0xe0: {  	v5 =	vadd.s32 v1, v5;
	_ =	sdelay $0x2  }
0xe1: {  	[tilespmem:s14], [sflag:$0x1] =	stream.indirect_vreg.gather [hbm4b:s1+s3], $0x80, v6, vm0, $0xb8;
	[tilespmem:$0xA600] =	vst v63  }
0xe2: {  	_ = 	snop  }
0xe3: {  	[tilespmem:s15], [sflag:$0x1] =	stream.indirect_vreg.gather [hbm4b:s1+s3], $0x80, v5, vm0, $0xb8;
	[tilespmem:$0xA600] =	vst v63  }
0xe4: {  	v5 =	vld [tilespmem:$0x120];
	_ =	sdelay $0x4  }
0xe5: {  	v6 =	vshll.u32 v5, $0x1  }
0xe6: {  	v5 =	vand.u32 $0x7, v5;
	v6 =	vand.u32 $0xFFFFFFF0, v6  }
0xe7: {  	v5 =	vor.u32 v5, v6  }
0xe8: {  	v6 =	vperm.xlane v5, v0;
	_ =	sdelay $0x1  }
0xe9: {  	v5 =	vperm.xlane v5, v2;
	v6 =	vadd.s32 v1, v6;
	_ =	sdelay $0x1  }
0xea: {  	v5 =	vadd.s32 v1, v5;
	_ =	sdelay $0x2  }
0xeb: {  	[tilespmem:s16], [sflag:$0x1] =	stream.indirect_vreg.gather [hbm4b:s1+s3], $0x80, v6, vm0, $0xb8;
	[tilespmem:$0xA600] =	vst v63  }
0xec: {  	_ = 	snop  }
0xed: {  	[tilespmem:s17], [sflag:$0x1] =	stream.indirect_vreg.gather [hbm4b:s1+s3], $0x80, v5, vm0, $0xb8;
	[tilespmem:$0xA600] =	vst v63  }
0xee: {  	v5 =	vld [tilespmem:$0x130];
	_ =	sdelay $0x4  }
0xef: {  	v6 =	vshll.u32 v5, $0x1  }
0xf0: {  	v5 =	vand.u32 $0x7, v5;
	v6 =	vand.u32 $0xFFFFFFF0, v6  }
0xf1: {  	v5 =	vor.u32 v5, v6  }
0xf2: {  	v6 =	vperm.xlane v5, v0;
	_ =	sdelay $0x1  }
0xf3: {  	v5 =	vperm.xlane v5, v2;
	v6 =	vadd.s32 v1, v6;
	_ =	sdelay $0x1  }
0xf4: {  	v5 =	vadd.s32 v1, v5;
	_ =	sdelay $0x2  }
0xf5: {  	[tilespmem:s18], [sflag:$0x1] =	stream.indirect_vreg.gather [hbm4b:s1+s3], $0x80, v6, vm0, $0xb8;
	[tilespmem:$0xA600] =	vst v63  }
0xf6: {  	_ = 	snop  }
0xf7: {  	[tilespmem:s19], [sflag:$0x1] =	stream.indirect_vreg.gather [hbm4b:s1+s3], $0x80, v5, vm0, $0xb8;
	[tilespmem:$0xA600] =	vst v63  }
0xf8: {  	v5 =	vld [tilespmem:$0x140];
	_ =	sdelay $0x4  }
0xf9: {  	v6 =	vshll.u32 v5, $0x1  }
0xfa: {  	v5 =	vand.u32 $0x7, v5;
	v6 =	vand.u32 $0xFFFFFFF0, v6  }
0xfb: {  	v5 =	vor.u32 v5, v6  }
0xfc: {  	v6 =	vperm.xlane v5, v0;
	_ =	sdelay $0x1  }
0xfd: {  	v5 =	vperm.xlane v5, v2;
	v6 =	vadd.s32 v1, v6;
	_ =	sdelay $0x1  }
0xfe: {  	v5 =	vadd.s32 v1, v5;
	_ =	sdelay $0x2  }
0xff: {  	[tilespmem:s20], [sflag:$0x1] =	stream.indirect_vreg.gather [hbm4b:s1+s3], $0x80, v6, vm0, $0xb8;
	[tilespmem:$0xA600] =	vst v63  }
0x100: {  	_ = 	snop  }
0x101: {  	[tilespmem:s21], [sflag:$0x1] =	stream.indirect_vreg.gather [hbm4b:s1+s3], $0x80, v5, vm0, $0xb8;
	[tilespmem:$0xA600] =	vst v63  }
0x102: {  	v5 =	vld [tilespmem:$0x150];
	_ =	sdelay $0x4  }
0x103: {  	v6 =	vshll.u32 v5, $0x1  }
0x104: {  	v5 =	vand.u32 $0x7, v5;
	v6 =	vand.u32 $0xFFFFFFF0, v6  }
0x105: {  	v5 =	vor.u32 v5, v6  }
0x106: {  	v6 =	vperm.xlane v5, v0;
	_ =	sdelay $0x1  }
0x107: {  	v5 =	vperm.xlane v5, v2;
	v6 =	vadd.s32 v1, v6;
	_ =	sdelay $0x1  }
0x108: {  	v5 =	vadd.s32 v1, v5;
	_ =	sdelay $0x2  }
0x109: {  	[tilespmem:s22], [sflag:$0x1] =	stream.indirect_vreg.gather [hbm4b:s1+s3], $0x80, v6, vm0, $0xb8;
	[tilespmem:$0xA600] =	vst v63  }
0x10a: {  	_ = 	snop  }
0x10b: {  	[tilespmem:s23], [sflag:$0x1] =	stream.indirect_vreg.gather [hbm4b:s1+s3], $0x80, v5, vm0, $0xb8;
	[tilespmem:$0xA600] =	vst v63  }
0x10c: {  	v5 =	vld [tilespmem:$0x160];
	_ =	sdelay $0x4  }
0x10d: {  	v6 =	vshll.u32 v5, $0x1  }
0x10e: {  	v5 =	vand.u32 $0x7, v5;
	v6 =	vand.u32 $0xFFFFFFF0, v6  }
0x10f: {  	v5 =	vor.u32 v5, v6  }
0x110: {  	v6 =	vperm.xlane v5, v0;
	_ =	sdelay $0x1  }
0x111: {  	v5 =	vperm.xlane v5, v2;
	v6 =	vadd.s32 v1, v6;
	_ =	sdelay $0x1  }
0x112: {  	v5 =	vadd.s32 v1, v5;
	_ =	sdelay $0x2  }
0x113: {  	[tilespmem:s24], [sflag:$0x1] =	stream.indirect_vreg.gather [hbm4b:s1+s3], $0x80, v6, vm0, $0xb8;
	[tilespmem:$0xA600] =	vst v63  }
0x114: {  	_ = 	snop  }
0x115: {  	[tilespmem:s25], [sflag:$0x1] =	stream.indirect_vreg.gather [hbm4b:s1+s3], $0x80, v5, vm0, $0xb8;
	[tilespmem:$0xA600] =	vst v63  }
0x116: {  	v5 =	vld [tilespmem:$0x170];
	_ =	sdelay $0x4  }
0x117: {  	v6 =	vshll.u32 v5, $0x1  }
0x118: {  	v5 =	vand.u32 $0x7, v5;
	v6 =	vand.u32 $0xFFFFFFF0, v6  }
0x119: {  	v5 =	vor.u32 v5, v6  }
0x11a: {  	v6 =	vperm.xlane v5, v0;
	_ =	sdelay $0x1  }
0x11b: {  	v5 =	vperm.xlane v5, v2;
	v6 =	vadd.s32 v1, v6;
	_ =	sdelay $0x1  }
0x11c: {  	v5 =	vadd.s32 v1, v5;
	_ =	sdelay $0x2  }
0x11d: {  	[tilespmem:s26], [sflag:$0x1] =	stream.indirect_vreg.gather [hbm4b:s1+s3], $0x80, v6, vm0, $0xb8;
	[tilespmem:$0xA600] =	vst v63  }
0x11e: {  	_ = 	snop  }
0x11f: {  	[tilespmem:s28], [sflag:$0x1] =	stream.indirect_vreg.gather [hbm4b:s1+s3], $0x80, v5, vm0, $0xb8;
	[tilespmem:$0xA600] =	vst v63  }
0x120: {  	_ =	swait.ge [sflag:s29], $0x8000  }
0x121: {  	[sflag:s29] =	ssyncset.done $0x0  }
0x122: {  	[sflag:s29] =	ssyncadd.s32 $0xFFFF8000  }
0x123: {  	[hbm4b:s6+s3] =	stream.linear.scatter [tilespmem:s12], [sflag:$0x2], $0x8000, $0x38;
	[tilespmem:$0xA600] =	vst v63  }
0x124: {  	_ =	swait.ge [sflag:s11], $0x8000  }
0x125: {  	[sflag:s11] =	ssyncset.done $0x0  }
0x126: {  	[sflag:s11] =	ssyncadd.s32 $0xFFFF8000  }
0x127: {  	v5 =	vld [tilespmem:$0x180];
	_ =	sdelay $0x4  }
0x128: {  	v6 =	vshll.u32 v5, $0x1  }
0x129: {  	v5 =	vand.u32 $0x7, v5;
	v6 =	vand.u32 $0xFFFFFFF0, v6  }
0x12a: {  	v5 =	vor.u32 v5, v6  }
0x12b: {  	v6 =	vperm.xlane v5, v0;
	_ =	sdelay $0x1  }
0x12c: {  	v5 =	vperm.xlane v5, v2;
	v6 =	vadd.s32 v1, v6;
	_ =	sdelay $0x1  }
0x12d: {  	v5 =	vadd.s32 v1, v5;
	_ =	sdelay $0x2  }
0x12e: {  	[tilespmem:s12], [sflag:$0x1] =	stream.indirect_vreg.gather [hbm4b:s1+s3], $0x80, v6, vm0, $0xb8;
	[tilespmem:$0xA600] =	vst v63  }
0x12f: {  	_ = 	snop  }
0x130: {  	[tilespmem:s9], [sflag:$0x1] =	stream.indirect_vreg.gather [hbm4b:s1+s3], $0x80, v5, vm0, $0xb8;
	[tilespmem:$0xA600] =	vst v63  }
0x131: {  	v5 =	vld [tilespmem:$0x190];
	_ =	sdelay $0x4  }
0x132: {  	v6 =	vshll.u32 v5, $0x1  }
0x133: {  	v5 =	vand.u32 $0x7, v5;
	v6 =	vand.u32 $0xFFFFFFF0, v6  }
0x134: {  	v5 =	vor.u32 v5, v6  }
0x135: {  	v6 =	vperm.xlane v5, v0;
	_ =	sdelay $0x1  }
0x136: {  	v5 =	vperm.xlane v5, v2;
	v6 =	vadd.s32 v1, v6;
	_ =	sdelay $0x1  }
0x137: {  	v5 =	vadd.s32 v1, v5;
	_ =	sdelay $0x2  }
0x138: {  	[tilespmem:s14], [sflag:$0x1] =	stream.indirect_vreg.gather [hbm4b:s1+s3], $0x80, v6, vm0, $0xb8;
	[tilespmem:$0xA600] =	vst v63  }
0x139: {  	_ = 	snop  }
0x13a: {  	[tilespmem:s15], [sflag:$0x1] =	stream.indirect_vreg.gather [hbm4b:s1+s3], $0x80, v5, vm0, $0xb8;
	[tilespmem:$0xA600] =	vst v63  }
0x13b: {  	v5 =	vld [tilespmem:$0x1A0];
	_ =	sdelay $0x4  }
0x13c: {  	v6 =	vshll.u32 v5, $0x1  }
0x13d: {  	v5 =	vand.u32 $0x7, v5;
	v6 =	vand.u32 $0xFFFFFFF0, v6  }
0x13e: {  	v5 =	vor.u32 v5, v6  }
0x13f: {  	v6 =	vperm.xlane v5, v0;
	_ =	sdelay $0x1  }
0x140: {  	v5 =	vperm.xlane v5, v2;
	v6 =	vadd.s32 v1, v6;
	_ =	sdelay $0x1  }
0x141: {  	v5 =	vadd.s32 v1, v5;
	_ =	sdelay $0x2  }
0x142: {  	[tilespmem:s16], [sflag:$0x1] =	stream.indirect_vreg.gather [hbm4b:s1+s3], $0x80, v6, vm0, $0xb8;
	[tilespmem:$0xA600] =	vst v63  }
0x143: {  	_ = 	snop  }
0x144: {  	[tilespmem:s17], [sflag:$0x1] =	stream.indirect_vreg.gather [hbm4b:s1+s3], $0x80, v5, vm0, $0xb8;
	[tilespmem:$0xA600] =	vst v63  }
0x145: {  	v5 =	vld [tilespmem:$0x1B0];
	_ =	sdelay $0x4  }
0x146: {  	v6 =	vshll.u32 v5, $0x1  }
0x147: {  	v5 =	vand.u32 $0x7, v5;
	v6 =	vand.u32 $0xFFFFFFF0, v6  }
0x148: {  	v5 =	vor.u32 v5, v6  }
0x149: {  	v6 =	vperm.xlane v5, v0;
	_ =	sdelay $0x1  }
0x14a: {  	v5 =	vperm.xlane v5, v2;
	v6 =	vadd.s32 v1, v6;
	_ =	sdelay $0x1  }
0x14b: {  	v5 =	vadd.s32 v1, v5;
	_ =	sdelay $0x2  }
0x14c: {  	[tilespmem:s18], [sflag:$0x1] =	stream.indirect_vreg.gather [hbm4b:s1+s3], $0x80, v6, vm0, $0xb8;
	[tilespmem:$0xA600] =	vst v63  }
0x14d: {  	_ = 	snop  }
0x14e: {  	[tilespmem:s19], [sflag:$0x1] =	stream.indirect_vreg.gather [hbm4b:s1+s3], $0x80, v5, vm0, $0xb8;
	[tilespmem:$0xA600] =	vst v63  }
0x14f: {  	v5 =	vld [tilespmem:$0x1C0];
	_ =	sdelay $0x4  }
0x150: {  	v6 =	vshll.u32 v5, $0x1  }
0x151: {  	v5 =	vand.u32 $0x7, v5;
	v6 =	vand.u32 $0xFFFFFFF0, v6  }
0x152: {  	v5 =	vor.u32 v5, v6  }
0x153: {  	v6 =	vperm.xlane v5, v0;
	_ =	sdelay $0x1  }
0x154: {  	v5 =	vperm.xlane v5, v2;
	v6 =	vadd.s32 v1, v6;
	_ =	sdelay $0x1  }
0x155: {  	v5 =	vadd.s32 v1, v5;
	_ =	sdelay $0x2  }
0x156: {  	[tilespmem:s20], [sflag:$0x1] =	stream.indirect_vreg.gather [hbm4b:s1+s3], $0x80, v6, vm0, $0xb8;
	[tilespmem:$0xA600] =	vst v63  }
0x157: {  	_ = 	snop  }
0x158: {  	[tilespmem:s21], [sflag:$0x1] =	stream.indirect_vreg.gather [hbm4b:s1+s3], $0x80, v5, vm0, $0xb8;
	[tilespmem:$0xA600] =	vst v63  }
0x159: {  	v5 =	vld [tilespmem:$0x1D0];
	_ =	sdelay $0x4  }
0x15a: {  	v6 =	vshll.u32 v5, $0x1  }
0x15b: {  	v5 =	vand.u32 $0x7, v5;
	v6 =	vand.u32 $0xFFFFFFF0, v6  }
0x15c: {  	v5 =	vor.u32 v5, v6  }
0x15d: {  	v6 =	vperm.xlane v5, v0;
	_ =	sdelay $0x1  }
0x15e: {  	v5 =	vperm.xlane v5, v2;
	v6 =	vadd.s32 v1, v6;
	_ =	sdelay $0x1  }
0x15f: {  	v5 =	vadd.s32 v1, v5;
	_ =	sdelay $0x2  }
0x160: {  	[tilespmem:s22], [sflag:$0x1] =	stream.indirect_vreg.gather [hbm4b:s1+s3], $0x80, v6, vm0, $0xb8;
	[tilespmem:$0xA600] =	vst v63  }
0x161: {  	_ = 	snop  }
0x162: {  	[tilespmem:s23], [sflag:$0x1] =	stream.indirect_vreg.gather [hbm4b:s1+s3], $0x80, v5, vm0, $0xb8;
	[tilespmem:$0xA600] =	vst v63  }
0x163: {  	v5 =	vld [tilespmem:$0x1E0];
	_ =	sdelay $0x4  }
0x164: {  	v6 =	vshll.u32 v5, $0x1  }
0x165: {  	v5 =	vand.u32 $0x7, v5;
	v6 =	vand.u32 $0xFFFFFFF0, v6  }
0x166: {  	v5 =	vor.u32 v5, v6  }
0x167: {  	v6 =	vperm.xlane v5, v0;
	_ =	sdelay $0x1  }
0x168: {  	v5 =	vperm.xlane v5, v2;
	v6 =	vadd.s32 v1, v6;
	_ =	sdelay $0x1  }
0x169: {  	v5 =	vadd.s32 v1, v5;
	_ =	sdelay $0x2  }
0x16a: {  	[tilespmem:s24], [sflag:$0x1] =	stream.indirect_vreg.gather [hbm4b:s1+s3], $0x80, v6, vm0, $0xb8;
	[tilespmem:$0xA600] =	vst v63  }
0x16b: {  	_ = 	snop  }
0x16c: {  	[tilespmem:s25], [sflag:$0x1] =	stream.indirect_vreg.gather [hbm4b:s1+s3], $0x80, v5, vm0, $0xb8;
	[tilespmem:$0xA600] =	vst v63  }
0x16d: {  	v5 =	vld [tilespmem:$0x1F0];
	_ =	sdelay $0x4  }
0x16e: {  	v6 =	vshll.u32 v5, $0x1  }
0x16f: {  	v5 =	vand.u32 $0x7, v5;
	v6 =	vand.u32 $0xFFFFFFF0, v6  }
0x170: {  	v5 =	vor.u32 v5, v6  }
0x171: {  	v6 =	vperm.xlane v5, v0;
	_ =	sdelay $0x1  }
0x172: {  	v5 =	vperm.xlane v5, v2;
	v6 =	vadd.s32 v1, v6;
	_ =	sdelay $0x1  }
0x173: {  	v5 =	vadd.s32 v1, v5;
	_ =	sdelay $0x2  }
0x174: {  	[tilespmem:s26], [sflag:$0x1] =	stream.indirect_vreg.gather [hbm4b:s1+s3], $0x80, v6, vm0, $0xb8;
	[tilespmem:$0xA600] =	vst v63  }
0x175: {  	_ = 	snop  }
0x176: {  	[tilespmem:s28], [sflag:$0x1] =	stream.indirect_vreg.gather [hbm4b:s1+s3], $0x80, v5, vm0, $0xb8;
	[tilespmem:$0xA600] =	vst v63  }
0x177: {  	_ =	swait.ge [sflag:s29], $0x8000  }
0x178: {  	[sflag:s29] =	ssyncset.done $0x0  }
0x179: {  	[sflag:s29] =	ssyncadd.s32 $0xFFFF8000  }
0x17a: {  	[hbm4b:s7+s3] =	stream.linear.scatter [tilespmem:s12], [sflag:$0x2], $0x8000, $0x38;
	[tilespmem:$0xA600] =	vst v63  }
0x17b: {  	_ =	swait.ge [sflag:s11], $0x8000  }
0x17c: {  	[sflag:s11] =	ssyncset.done $0x0  }
0x17d: {  	[sflag:s11] =	ssyncadd.s32 $0xFFFF8000  }
0x17e: {  	[tilespmem:$0x8200] =	vst v3  }
0x17f: {  	[tilespmem:$0x8210] =	vst v3  }
0x180: {  	[tilespmem:$0x8220] =	vst v3  }
0x181: {  	[tilespmem:$0x8230] =	vst v3  }
0x182: {  	[tilespmem:$0x8240] =	vst v3  }
0x183: {  	[tilespmem:$0x8250] =	vst v3  }
0x184: {  	[tilespmem:$0x8260] =	vst v3  }
0x185: {  	[tilespmem:$0x8270] =	vst v3  }
0x186: {  	[tilespmem:$0x8280] =	vst v3  }
0x187: {  	[tilespmem:$0x8290] =	vst v3  }
0x188: {  	[tilespmem:$0x82A0] =	vst v3  }
0x189: {  	[tilespmem:$0x82B0] =	vst v3  }
0x18a: {  	[tilespmem:$0x82C0] =	vst v3  }
0x18b: {  	[tilespmem:$0x82D0] =	vst v3  }
0x18c: {  	[tilespmem:$0x82E0] =	vst v3  }
0x18d: {  	[tilespmem:$0x82F0] =	vst v3  }
0x18e: {  	[tilespmem:$0x8300] =	vst v3  }
0x18f: {  	[tilespmem:$0x8310] =	vst v3  }
0x190: {  	[tilespmem:$0x8320] =	vst v3  }
0x191: {  	[tilespmem:$0x8330] =	vst v3  }
0x192: {  	[tilespmem:$0x8340] =	vst v3  }
0x193: {  	[tilespmem:$0x8350] =	vst v3  }
0x194: {  	[tilespmem:$0x8360] =	vst v3  }
0x195: {  	[tilespmem:$0x8370] =	vst v3  }
0x196: {  	[tilespmem:$0x8380] =	vst v3  }
0x197: {  	[tilespmem:$0x8390] =	vst v3  }
0x198: {  	[tilespmem:$0x83A0] =	vst v3  }
.Ltmp2:
0x199: {  	[tilespmem:$0x83B0] =	vst v3;
	(pc) =	sbr.rel @p0 .LBB2_5-.Ltmp2, $4  }
0x19a: {  	[tilespmem:$0x83C0] =	vst v3  }
0x19b: {  	[tilespmem:$0x83D0] =	vst v3  }
0x19c: {  	[tilespmem:$0x83E0] =	vst v3  }
0x19d: {  	[tilespmem:$0x83F0] =	vst v3  }
0x19e: {  	s10 =	smov.u32 s7  }
0x19f: {  	s8 =	smov.u32 s6;
	s7 =	smov.u32 s5;
	s6 =	smov.u32 s4  }
0x1a0: {  	s5 =	smov.u32 s2;
	s9 =	simm.s32 $0x40;
	s31 =	simm.s32 $0x0  }
.LBB2_3:
0x1a1: {  	p1 =	sne.s32 s9, $0x7FC0;
	[tilespmem:s31+$0x8400] =	vst v4;
	s31 =	smov.u32 s9;
	s9 =	sadd.s32 $0x40, s9  }
.Ltmp3:
0x1a2: {  	(pc) =	sbr.rel @p1 .LBB2_3-.Ltmp3, $2  }
0x1a3: {  	_ =	sdelay $0x2  }
0x1a4: {  	s31 =	sshra.s32 s31, $0x2  }
0x1a5: {  	[tilespmem:s31+$0x8400] =	vst v4;
	s2 =	simm.s32 $0x8400  }
0x1a6: {  	[spmem:s30] =	stream.linear.scatter [tilespmem:s2], [sflag:$0x2], $0x2000, $0x38;
	[tilespmem:$0xA600] =	vst v63  }
0x1a7: {  	_ =	swait.ge [sflag:s11], $0x2000  }
0x1a8: {  	[sflag:s11] =	ssyncset.done $0x0  }
0x1a9: {  	[sflag:s11] =	ssyncadd.s32 $0xFFFFE000  }
0x1aa: {  	s4 =	simm.s32 $0x8200;
	[bflag:$0x0] =	sbarrier.arrive $0xFFFF  }
0x1ab: {  	[spmem:s30] =	stream.indirect.scatter.add.f32 [tilespmem:s4], [sflag:$0x2], $0x1, s3, s12, $0xb8;
	[tilespmem:$0xA600] =	vst v63  }
0x1ac: {  	_ =	swait.ge [sflag:s11], $0x200  }
0x1ad: {  	[sflag:s11] =	ssyncset.done $0x0  }
0x1ae: {  	[sflag:s11] =	ssyncadd.s32 $0xFFFFFE00  }
0x1af: {  	[bflag:$0x0] =	sbarrier.arrive $0xFFFF  }
0x1b0: {  	[tilespmem:s2], [sflag:$0x2] =	stream.linear.gather [spmem:s30], $0x2000, $0x38;
	[tilespmem:$0xA600] =	vst v63  }
0x1b1: {  	_ =	swait.ge [sflag:s11], $0x2000  }
0x1b2: {  	s31 =	simm.s32 $0x100;
	s4 =	smov.u32 s30;
	[sflag:s11] =	ssyncset.done $0x0  }
0x1b3: {  	s30 =	simm.s32 $0x80;
	s9 =	rddreg [dreg:$0x4];
	[sflag:s11] =	ssyncadd.s32 $0xFFFFE000  }
0x1b4: {  	[hbm4b:s9+s30] =	stream.strided.scatter [tilespmem:s2], [sflag:$0x2], $0x2000, s31, s30, $0x38;
	[tilespmem:$0xA600] =	vst v63  }
.Ltmp4:
0x1b5: {  	_ = 	snop;
	(pc) =	sbr.rel .LBB2_6-.Ltmp4, $4  }
0x1b6: {  	s30 =	smov.u32 s4;
	s2 =	smov.u32 s5  }
0x1b7: {  	s4 =	smov.u32 s6;
	s5 =	smov.u32 s7;
	_ =	swait.ge [sflag:s11], $0x2000  }
0x1b8: {  	s6 =	smov.u32 s8;
	s7 =	smov.u32 s10;
	[sflag:s11] =	ssyncset.done $0x0  }
0x1b9: {  	s10 =	simm.s32 $0x8200;
	s9 =	simm.s32 $0xA00;
	[sflag:s11] =	ssyncadd.s32 $0xFFFFE000  }
.LBB2_7:
0x1ba: {  	_ =	sfence.sel $0x180000  }
0x1bb: {  	[bflag:$0x0] =	sbarrier.arrive $0xFFFF  }
0x1bc: {  	_ =	strace $0x90000047  }
0x1bd: {  	[bflag:$0x2] =	sbarrier.arrive $0xFFFF  }
0x1be: {  	s0 =	rddreg [dreg:$0x3]  }
0x1bf: {  	s0 =	sadd.s32 @!p0 $0x100000, s0  }
0x1c0: {  	[sflag:s0] =	ssyncadd.tile.s32 @!p0 $0x1;
	_ =	shalt  }
.Lfunc_end2:
_tile_overlayer_lowered:
.L_overlay_start_2:
0x1c1: {  	(tag) =	ssettag $0x2  }
0x1c2: {  	s0 =	rddreg [dreg:$0x0];
	s2 =	stileid.u32  }
0x1c3: {  	s1 =	rddreg [dreg:$0x1];
	p0 =	sne.s32 s2, $0x0  }
0x1c4: {  	s3 =	rddreg [dreg:$0x2];
	[bflag:$0x3] =	sbarrier.arrive $0xFFFF;
	s2 =	simm.s32 @!p0 $0x1C02  }
0x1c5: {  	[timem:s3], [sflag:s2] =	dma.local @!p0 [hbm:s0], s1  }
0x1c6: {  	s0 =	simm.s32 @!p0 $0x2  }
0x1c7: {  	_ =	swait.ge @!p0 [sflag:s0], s1  }
0x1c8: {  	s1 =	ssub.s32 @!p0 $0x0, s1;
	[sflag:s0] =	ssyncset.done @!p0 $0x0  }
0x1c9: {  	[sflag:s0] =	ssyncadd.s32 @!p0 s1  }
0x1ca: {  	[bflag:$0x3] =	sbarrier.arrive $0xFFFF  }
0x1cb: {  	_ =	shalt  }

</sc_bundles>
